<compile_context>
chip_gen: v7x
topology: tpu7x:2x2x1
jax: 0.10.2.dev20260603
libtpu: 0.0.44.dev20260713+nightly
codegen_flags: <defaults>
</compile_context>

<pallas_src>
import functools

import jax
import jax.numpy as jnp
from jax import lax
from jax.experimental import pallas as pl
from jax.experimental.pallas import tpu as pltpu
from jax.experimental.pallas import tpu_sc as plsc

NH = 12
T = 256
HD = 64
NROWS = 257
HPC = NH // 2

_mesh = plsc.VectorSubcoreMesh(core_axis_name="c", subcore_axis_name="s")


@functools.partial(
    pl.kernel,
    out_type=jax.ShapeDtypeStruct((1, NH, T, T, HD), jnp.float32),
    mesh=_mesh,
    scratch_types=[
        pltpu.VMEM((4, 128), jnp.int32),
        pltpu.VMEM((512, HD), jnp.float32),
        pltpu.VMEM_SHARED((HPC, 512, HD), jnp.float32),
        pltpu.SemaphoreType.DMA,
        pltpu.SemaphoreType.DMA,
        pltpu.SemaphoreType.DMA,
    ],
    compiler_params=pltpu.CompilerParams(use_tc_tiling_on_sc=False),
)
def _rel_pos_sc(table_hbm, out_hbm, idx_v, f_v, strips, gsem, psem, osem):
    core = lax.axis_index("c")
    sub = lax.axis_index("s")
    lane = lax.iota(jnp.int32, 16)

    @pl.when(sub < HPC)
    def _build():
        h = core * HPC + sub
        for g in range(4):
            for t in range(8):
                m = g * 128 + t * 16 + lane
                row = jnp.clip(383 - m, 0, 256)
                idx_v[g, pl.ds(t * 16, 16)] = row * NH + h
        gathers = [
            pltpu.make_async_copy(
                table_hbm.at[idx_v.at[g]], f_v.at[pl.ds(g * 128, 128)], gsem
            )
            for g in range(4)
        ]
        for c in gathers:
            c.start()
        for c in gathers:
            c.wait()
        pltpu.make_async_copy(f_v, strips.at[sub], psem).start()
        pltpu.make_async_copy(f_v, strips.at[sub], psem).wait()

    plsc.subcore_barrier()

    def fire(k, carry):
        i = sub * 16 + k
        for hl in range(HPC):
            pltpu.make_async_copy(
                strips.at[hl, pl.ds(255 - i, 256), :],
                out_hbm.at[0, core * HPC + hl, i],
                osem,
            ).start()
        return carry

    lax.fori_loop(0, 16, fire, 0)

    def drain(k, carry):
        pltpu.make_async_copy(
            strips.at[0, pl.ds(0, 256), :],
            out_hbm.at[0, core * HPC, sub * 16],
            osem,
        ).wait()
        return carry

    lax.fori_loop(0, 16 * HPC, drain, 0)


def kernel(q, rel_pos_emb_table):
    table64 = rel_pos_emb_table.reshape(NROWS * NH, HD)
    return _rel_pos_sc(table64)

# --- scband reference (transcript-rebuilt; emitter-appended) ---
"""Pipeline reference for scband-relative-positional-encoding-29016799052070 (READ-ONLY COPY).

The authoritative reference and input builder live on the scoring server;
editing this copy changes nothing except your own understanding.
"""

import jax, jax.numpy as jnp
import numpy as np

MAX_REL = 128
D_MODEL = 768


def setup_inputs(seed: int = 0) -> dict:
    key = jax.random.key(seed)
    k1, k2 = jax.random.split(key)
    q = jax.random.normal(k1, (1, 12, 256, 64), dtype=jnp.float32)
    rel_pos_emb_table = jax.random.normal(k2, (2 * MAX_REL + 1, D_MODEL), dtype=jnp.float32)
    return {"q": q, "rel_pos_emb_table": rel_pos_emb_table}


def reference(q, rel_pos_emb_table):
    B, n_heads, T, head_dim = q.shape
    # relative position matrix [T, T]
    positions = jnp.arange(T)[:, None] - jnp.arange(T)[None, :]
    positions = jnp.clip(positions, -MAX_REL, MAX_REL) + MAX_REL
    # embedding gather -> [T, T, d_model]
    rel_pos_emb = jnp.take(rel_pos_emb_table, positions, axis=0)
    rel_pos_emb = rel_pos_emb.reshape(T, T, n_heads, head_dim)
    rel_pos_emb = jnp.transpose(rel_pos_emb, (2, 0, 1, 3))
    rel_pos_emb = jnp.broadcast_to(rel_pos_emb[None, ...], (B, n_heads, T, T, head_dim))
    return rel_pos_emb

if __name__ == "__main__":
    import jax
    _d = setup_inputs()
    print(jax.jit(kernel)(*tuple(_d.values())))

</pallas_src>

<mosaic_0001>
#map = affine_map<(d0, d1) -> (0, 0)>
#map1 = affine_map<(d0, d1) -> (0, 0, 0, 0, 0)>
module attributes {stable_mosaic.version = 14 : i64} {
  func.func @_rel_pos_sc(%arg0: i32, %arg1: i32, %arg2: memref<3084x64xf32, #tpu.memory_space<hbm>>, %arg3: memref<1x12x256x256x64xf32, #tpu.memory_space<hbm>>, %arg4: memref<4x128xi32, #tpu.memory_space<vmem>>, %arg5: memref<512x64xf32, #tpu.memory_space<vmem>>, %arg6: memref<6x512x64xf32, #tpu.memory_space<vmem_shared>>, %arg7: memref<!tpu.dma_semaphore, #tpu.memory_space<semaphore_mem>>, %arg8: memref<!tpu.dma_semaphore, #tpu.memory_space<semaphore_mem>>, %arg9: memref<!tpu.dma_semaphore, #tpu.memory_space<semaphore_mem>>) attributes {dimension_semantics = [#tpu.dimension_semantics<core_parallel>, #tpu.dimension_semantics<subcore_parallel>], iteration_bounds = array<i64: 2, 16>, scalar_prefetch = 0 : i64, scratch_operands = 6 : i64, tpu.core_type = #tpu.core_type<sc_vector_subcore>, window_params = [{transform_indices = #map}, {transform_indices = #map1}]} {
    %iota3A = tpu.iota {dimensions = array<i32: 0>} : vector<16xi32>
    %lt3A = arith.constant 6 : i32
    %lt3A_0 = arith.cmpi slt, %arg1, %lt3A : i32
    %convert_element_type3A = arith.extui %lt3A_0 : i1 to i32
    %cond3A = arith.constant 0 : i32
    %cond3A_1 = arith.cmpi ne, %convert_element_type3A, %cond3A : i32
    scf.if %cond3A_1 {
      %mul3A = arith.constant 6 : i32
      %mul3A_13 = arith.muli %arg0, %mul3A : i32
      %add3A = arith.addi %mul3A_13, %arg1 : i32
      %add3A_14 = arith.constant 0 : i32
      %add3A_15 = vector.broadcast %add3A_14 : i32 to vector<16xi32>
      %add3A_16 = arith.addi %add3A_15, %iota3A : vector<16xi32>
      %sub3A = arith.constant 383 : i32
      %sub3A_17 = vector.broadcast %sub3A : i32 to vector<16xi32>
      %sub3A_18 = arith.subi %sub3A_17, %add3A_16 : vector<16xi32>
      %jit3A = arith.constant 0 : i32
      %jit3A_19 = arith.constant 256 : i32
      %max3A = vector.broadcast %jit3A : i32 to vector<16xi32>
      %max3A_20 = arith.maxsi %max3A, %sub3A_18 : vector<16xi32>
      %min3A = vector.broadcast %jit3A_19 : i32 to vector<16xi32>
      %min3A_21 = arith.minsi %min3A, %max3A_20 : vector<16xi32>
      %mul3A_22 = arith.constant 12 : i32
      %mul3A_23 = vector.broadcast %mul3A_22 : i32 to vector<16xi32>
      %mul3A_24 = arith.muli %min3A_21, %mul3A_23 : vector<16xi32>
      %add3A_25 = vector.broadcast %add3A : i32 to vector<16xi32>
      %add3A_26 = arith.addi %mul3A_24, %add3A_25 : vector<16xi32>
      %swap3A = arith.constant 0 : i32
      %swap3A_27 = arith.index_cast %swap3A : i32 to index
      %swap3A_28 = arith.constant 0 : index
      %swap3A_29 = tpu.vector_load %arg4[%swap3A_27, %swap3A_28] {strides = array<i32>} : memref<4x128xi32, #tpu.memory_space<vmem>>, vector<1x16xi32>,
      %swap3A_30 = vector.shape_cast %swap3A_29 : vector<1x16xi32> to vector<16xi32>
      %swap3A_31 = vector.shape_cast %add3A_26 : vector<16xi32> to vector<1x16xi32>
      tpu.vector_store %arg4[%swap3A_27, %swap3A_28], %swap3A_31 {strides = array<i32>} : memref<4x128xi32, #tpu.memory_space<vmem>>, vector<1x16xi32>,
      %add3A_32 = arith.constant 16 : i32
      %add3A_33 = vector.broadcast %add3A_32 : i32 to vector<16xi32>
      %add3A_34 = arith.addi %add3A_33, %iota3A : vector<16xi32>
      %sub3A_35 = arith.constant 383 : i32
      %sub3A_36 = vector.broadcast %sub3A_35 : i32 to vector<16xi32>
      %sub3A_37 = arith.subi %sub3A_36, %add3A_34 : vector<16xi32>
      %jit3A_38 = arith.constant 0 : i32
      %jit3A_39 = arith.constant 256 : i32
      %max3A_40 = vector.broadcast %jit3A_38 : i32 to vector<16xi32>
      %max3A_41 = arith.maxsi %max3A_40, %sub3A_37 : vector<16xi32>
      %min3A_42 = vector.broadcast %jit3A_39 : i32 to vector<16xi32>
      %min3A_43 = arith.minsi %min3A_42, %max3A_41 : vector<16xi32>
      %mul3A_44 = arith.constant 12 : i32
      %mul3A_45 = vector.broadcast %mul3A_44 : i32 to vector<16xi32>
      %mul3A_46 = arith.muli %min3A_43, %mul3A_45 : vector<16xi32>
      %add3A_47 = vector.broadcast %add3A : i32 to vector<16xi32>
      %add3A_48 = arith.addi %mul3A_46, %add3A_47 : vector<16xi32>
      %swap3A_49 = arith.constant 0 : i32
      %swap3A_50 = arith.index_cast %swap3A_49 : i32 to index
      %swap3A_51 = arith.constant 16 : index
      %swap3A_52 = tpu.vector_load %arg4[%swap3A_50, %swap3A_51] {strides = array<i32>} : memref<4x128xi32, #tpu.memory_space<vmem>>, vector<1x16xi32>,
      %swap3A_53 = vector.shape_cast %swap3A_52 : vector<1x16xi32> to vector<16xi32>
      %swap3A_54 = vector.shape_cast %add3A_48 : vector<16xi32> to vector<1x16xi32>
      tpu.vector_store %arg4[%swap3A_50, %swap3A_51], %swap3A_54 {strides = array<i32>} : memref<4x128xi32, #tpu.memory_space<vmem>>, vector<1x16xi32>,
      %add3A_55 = arith.constant 32 : i32
      %add3A_56 = vector.broadcast %add3A_55 : i32 to vector<16xi32>
      %add3A_57 = arith.addi %add3A_56, %iota3A : vector<16xi32>
      %sub3A_58 = arith.constant 383 : i32
      %sub3A_59 = vector.broadcast %sub3A_58 : i32 to vector<16xi32>
      %sub3A_60 = arith.subi %sub3A_59, %add3A_57 : vector<16xi32>
      %jit3A_61 = arith.constant 0 : i32
      %jit3A_62 = arith.constant 256 : i32
      %max3A_63 = vector.broadcast %jit3A_61 : i32 to vector<16xi32>
      %max3A_64 = arith.maxsi %max3A_63, %sub3A_60 : vector<16xi32>
      %min3A_65 = vector.broadcast %jit3A_62 : i32 to vector<16xi32>
      %min3A_66 = arith.minsi %min3A_65, %max3A_64 : vector<16xi32>
      %mul3A_67 = arith.constant 12 : i32
      %mul3A_68 = vector.broadcast %mul3A_67 : i32 to vector<16xi32>
      %mul3A_69 = arith.muli %min3A_66, %mul3A_68 : vector<16xi32>
      %add3A_70 = vector.broadcast %add3A : i32 to vector<16xi32>
      %add3A_71 = arith.addi %mul3A_69, %add3A_70 : vector<16xi32>
      %swap3A_72 = arith.constant 0 : i32
      %swap3A_73 = arith.index_cast %swap3A_72 : i32 to index
      %swap3A_74 = arith.constant 32 : index
      %swap3A_75 = tpu.vector_load %arg4[%swap3A_73, %swap3A_74] {strides = array<i32>} : memref<4x128xi32, #tpu.memory_space<vmem>>, vector<1x16xi32>,
      %swap3A_76 = vector.shape_cast %swap3A_75 : vector<1x16xi32> to vector<16xi32>
      %swap3A_77 = vector.shape_cast %add3A_71 : vector<16xi32> to vector<1x16xi32>
      tpu.vector_store %arg4[%swap3A_73, %swap3A_74], %swap3A_77 {strides = array<i32>} : memref<4x128xi32, #tpu.memory_space<vmem>>, vector<1x16xi32>,
      %add3A_78 = arith.constant 48 : i32
      %add3A_79 = vector.broadcast %add3A_78 : i32 to vector<16xi32>
      %add3A_80 = arith.addi %add3A_79, %iota3A : vector<16xi32>
      %sub3A_81 = arith.constant 383 : i32
      %sub3A_82 = vector.broadcast %sub3A_81 : i32 to vector<16xi32>
      %sub3A_83 = arith.subi %sub3A_82, %add3A_80 : vector<16xi32>
      %jit3A_84 = arith.constant 0 : i32
      %jit3A_85 = arith.constant 256 : i32
      %max3A_86 = vector.broadcast %jit3A_84 : i32 to vector<16xi32>
      %max3A_87 = arith.maxsi %max3A_86, %sub3A_83 : vector<16xi32>
      %min3A_88 = vector.broadcast %jit3A_85 : i32 to vector<16xi32>
      %min3A_89 = arith.minsi %min3A_88, %max3A_87 : vector<16xi32>
      %mul3A_90 = arith.constant 12 : i32
      %mul3A_91 = vector.broadcast %mul3A_90 : i32 to vector<16xi32>
      %mul3A_92 = arith.muli %min3A_89, %mul3A_91 : vector<16xi32>
      %add3A_93 = vector.broadcast %add3A : i32 to vector<16xi32>
      %add3A_94 = arith.addi %mul3A_92, %add3A_93 : vector<16xi32>
      %swap3A_95 = arith.constant 0 : i32
      %swap3A_96 = arith.index_cast %swap3A_95 : i32 to index
      %swap3A_97 = arith.constant 48 : index
      %swap3A_98 = tpu.vector_load %arg4[%swap3A_96, %swap3A_97] {strides = array<i32>} : memref<4x128xi32, #tpu.memory_space<vmem>>, vector<1x16xi32>,
      %swap3A_99 = vector.shape_cast %swap3A_98 : vector<1x16xi32> to vector<16xi32>
      %swap3A_100 = vector.shape_cast %add3A_94 : vector<16xi32> to vector<1x16xi32>
      tpu.vector_store %arg4[%swap3A_96, %swap3A_97], %swap3A_100 {strides = array<i32>} : memref<4x128xi32, #tpu.memory_space<vmem>>, vector<1x16xi32>,
      %add3A_101 = arith.constant 64 : i32
      %add3A_102 = vector.broadcast %add3A_101 : i32 to vector<16xi32>
      %add3A_103 = arith.addi %add3A_102, %iota3A : vector<16xi32>
      %sub3A_104 = arith.constant 383 : i32
      %sub3A_105 = vector.broadcast %sub3A_104 : i32 to vector<16xi32>
      %sub3A_106 = arith.subi %sub3A_105, %add3A_103 : vector<16xi32>
      %jit3A_107 = arith.constant 0 : i32
      %jit3A_108 = arith.constant 256 : i32
      %max3A_109 = vector.broadcast %jit3A_107 : i32 to vector<16xi32>
      %max3A_110 = arith.maxsi %max3A_109, %sub3A_106 : vector<16xi32>
      %min3A_111 = vector.broadcast %jit3A_108 : i32 to vector<16xi32>
      %min3A_112 = arith.minsi %min3A_111, %max3A_110 : vector<16xi32>
      %mul3A_113 = arith.constant 12 : i32
      %mul3A_114 = vector.broadcast %mul3A_113 : i32 to vector<16xi32>
      %mul3A_115 = arith.muli %min3A_112, %mul3A_114 : vector<16xi32>
      %add3A_116 = vector.broadcast %add3A : i32 to vector<16xi32>
      %add3A_117 = arith.addi %mul3A_115, %add3A_116 : vector<16xi32>
      %swap3A_118 = arith.constant 0 : i32
      %swap3A_119 = arith.index_cast %swap3A_118 : i32 to index
      %swap3A_120 = arith.constant 64 : index
      %swap3A_121 = tpu.vector_load %arg4[%swap3A_119, %swap3A_120] {strides = array<i32>} : memref<4x128xi32, #tpu.memory_space<vmem>>, vector<1x16xi32>,
      %swap3A_122 = vector.shape_cast %swap3A_121 : vector<1x16xi32> to vector<16xi32>
      %swap3A_123 = vector.shape_cast %add3A_117 : vector<16xi32> to vector<1x16xi32>
      tpu.vector_store %arg4[%swap3A_119, %swap3A_120], %swap3A_123 {strides = array<i32>} : memref<4x128xi32, #tpu.memory_space<vmem>>, vector<1x16xi32>,
      %add3A_124 = arith.constant 80 : i32
      %add3A_125 = vector.broadcast %add3A_124 : i32 to vector<16xi32>
      %add3A_126 = arith.addi %add3A_125, %iota3A : vector<16xi32>
      %sub3A_127 = arith.constant 383 : i32
      %sub3A_128 = vector.broadcast %sub3A_127 : i32 to vector<16xi32>
      %sub3A_129 = arith.subi %sub3A_128, %add3A_126 : vector<16xi32>
      %jit3A_130 = arith.constant 0 : i32
      %jit3A_131 = arith.constant 256 : i32
      %max3A_132 = vector.broadcast %jit3A_130 : i32 to vector<16xi32>
      %max3A_133 = arith.maxsi %max3A_132, %sub3A_129 : vector<16xi32>
      %min3A_134 = vector.broadcast %jit3A_131 : i32 to vector<16xi32>
      %min3A_135 = arith.minsi %min3A_134, %max3A_133 : vector<16xi32>
      %mul3A_136 = arith.constant 12 : i32
      %mul3A_137 = vector.broadcast %mul3A_136 : i32 to vector<16xi32>
      %mul3A_138 = arith.muli %min3A_135, %mul3A_137 : vector<16xi32>
      %add3A_139 = vector.broadcast %add3A : i32 to vector<16xi32>
      %add3A_140 = arith.addi %mul3A_138, %add3A_139 : vector<16xi32>
      %swap3A_141 = arith.constant 0 : i32
      %swap3A_142 = arith.index_cast %swap3A_141 : i32 to index
      %swap3A_143 = arith.constant 80 : index
      %swap3A_144 = tpu.vector_load %arg4[%swap3A_142, %swap3A_143] {strides = array<i32>} : memref<4x128xi32, #tpu.memory_space<vmem>>, vector<1x16xi32>,
      %swap3A_145 = vector.shape_cast %swap3A_144 : vector<1x16xi32> to vector<16xi32>
      %swap3A_146 = vector.shape_cast %add3A_140 : vector<16xi32> to vector<1x16xi32>
      tpu.vector_store %arg4[%swap3A_142, %swap3A_143], %swap3A_146 {strides = array<i32>} : memref<4x128xi32, #tpu.memory_space<vmem>>, vector<1x16xi32>,
      %add3A_147 = arith.constant 96 : i32
      %add3A_148 = vector.broadcast %add3A_147 : i32 to vector<16xi32>
      %add3A_149 = arith.addi %add3A_148, %iota3A : vector<16xi32>
      %sub3A_150 = arith.constant 383 : i32
      %sub3A_151 = vector.broadcast %sub3A_150 : i32 to vector<16xi32>
      %sub3A_152 = arith.subi %sub3A_151, %add3A_149 : vector<16xi32>
      %jit3A_153 = arith.constant 0 : i32
      %jit3A_154 = arith.constant 256 : i32
      %max3A_155 = vector.broadcast %jit3A_153 : i32 to vector<16xi32>
      %max3A_156 = arith.maxsi %max3A_155, %sub3A_152 : vector<16xi32>
      %min3A_157 = vector.broadcast %jit3A_154 : i32 to vector<16xi32>
      %min3A_158 = arith.minsi %min3A_157, %max3A_156 : vector<16xi32>
      %mul3A_159 = arith.constant 12 : i32
      %mul3A_160 = vector.broadcast %mul3A_159 : i32 to vector<16xi32>
      %mul3A_161 = arith.muli %min3A_158, %mul3A_160 : vector<16xi32>
      %add3A_162 = vector.broadcast %add3A : i32 to vector<16xi32>
      %add3A_163 = arith.addi %mul3A_161, %add3A_162 : vector<16xi32>
      %swap3A_164 = arith.constant 0 : i32
      %swap3A_165 = arith.index_cast %swap3A_164 : i32 to index
      %swap3A_166 = arith.constant 96 : index
      %swap3A_167 = tpu.vector_load %arg4[%swap3A_165, %swap3A_166] {strides = array<i32>} : memref<4x128xi32, #tpu.memory_space<vmem>>, vector<1x16xi32>,
      %swap3A_168 = vector.shape_cast %swap3A_167 : vector<1x16xi32> to vector<16xi32>
      %swap3A_169 = vector.shape_cast %add3A_163 : vector<16xi32> to vector<1x16xi32>
      tpu.vector_store %arg4[%swap3A_165, %swap3A_166], %swap3A_169 {strides = array<i32>} : memref<4x128xi32, #tpu.memory_space<vmem>>, vector<1x16xi32>,
      %add3A_170 = arith.constant 112 : i32
      %add3A_171 = vector.broadcast %add3A_170 : i32 to vector<16xi32>
      %add3A_172 = arith.addi %add3A_171, %iota3A : vector<16xi32>
      %sub3A_173 = arith.constant 383 : i32
      %sub3A_174 = vector.broadcast %sub3A_173 : i32 to vector<16xi32>
      %sub3A_175 = arith.subi %sub3A_174, %add3A_172 : vector<16xi32>
      %jit3A_176 = arith.constant 0 : i32
      %jit3A_177 = arith.constant 256 : i32
      %max3A_178 = vector.broadcast %jit3A_176 : i32 to vector<16xi32>
      %max3A_179 = arith.maxsi %max3A_178, %sub3A_175 : vector<16xi32>
      %min3A_180 = vector.broadcast %jit3A_177 : i32 to vector<16xi32>
      %min3A_181 = arith.minsi %min3A_180, %max3A_179 : vector<16xi32>
      %mul3A_182 = arith.constant 12 : i32
      %mul3A_183 = vector.broadcast %mul3A_182 : i32 to vector<16xi32>
      %mul3A_184 = arith.muli %min3A_181, %mul3A_183 : vector<16xi32>
      %add3A_185 = vector.broadcast %add3A : i32 to vector<16xi32>
      %add3A_186 = arith.addi %mul3A_184, %add3A_185 : vector<16xi32>
      %swap3A_187 = arith.constant 0 : i32
      %swap3A_188 = arith.index_cast %swap3A_187 : i32 to index
      %swap3A_189 = arith.constant 112 : index
      %swap3A_190 = tpu.vector_load %arg4[%swap3A_188, %swap3A_189] {strides = array<i32>} : memref<4x128xi32, #tpu.memory_space<vmem>>, vector<1x16xi32>,
      %swap3A_191 = vector.shape_cast %swap3A_190 : vector<1x16xi32> to vector<16xi32>
      %swap3A_192 = vector.shape_cast %add3A_186 : vector<16xi32> to vector<1x16xi32>
      tpu.vector_store %arg4[%swap3A_188, %swap3A_189], %swap3A_192 {strides = array<i32>} : memref<4x128xi32, #tpu.memory_space<vmem>>, vector<1x16xi32>,
      %add3A_193 = arith.constant 128 : i32
      %add3A_194 = vector.broadcast %add3A_193 : i32 to vector<16xi32>
      %add3A_195 = arith.addi %add3A_194, %iota3A : vector<16xi32>
      %sub3A_196 = arith.constant 383 : i32
      %sub3A_197 = vector.broadcast %sub3A_196 : i32 to vector<16xi32>
      %sub3A_198 = arith.subi %sub3A_197, %add3A_195 : vector<16xi32>
      %jit3A_199 = arith.constant 0 : i32
      %jit3A_200 = arith.constant 256 : i32
      %max3A_201 = vector.broadcast %jit3A_199 : i32 to vector<16xi32>
      %max3A_202 = arith.maxsi %max3A_201, %sub3A_198 : vector<16xi32>
      %min3A_203 = vector.broadcast %jit3A_200 : i32 to vector<16xi32>
      %min3A_204 = arith.minsi %min3A_203, %max3A_202 : vector<16xi32>
      %mul3A_205 = arith.constant 12 : i32
      %mul3A_206 = vector.broadcast %mul3A_205 : i32 to vector<16xi32>
      %mul3A_207 = arith.muli %min3A_204, %mul3A_206 : vector<16xi32>
      %add3A_208 = vector.broadcast %add3A : i32 to vector<16xi32>
      %add3A_209 = arith.addi %mul3A_207, %add3A_208 : vector<16xi32>
      %swap3A_210 = arith.constant 1 : i32
      %swap3A_211 = arith.index_cast %swap3A_210 : i32 to index
      %swap3A_212 = arith.constant 0 : index
      %swap3A_213 = tpu.vector_load %arg4[%swap3A_211, %swap3A_212] {strides = array<i32>} : memref<4x128xi32, #tpu.memory_space<vmem>>, vector<1x16xi32>,
      %swap3A_214 = vector.shape_cast %swap3A_213 : vector<1x16xi32> to vector<16xi32>
      %swap3A_215 = vector.shape_cast %add3A_209 : vector<16xi32> to vector<1x16xi32>
      tpu.vector_store %arg4[%swap3A_211, %swap3A_212], %swap3A_215 {strides = array<i32>} : memref<4x128xi32, #tpu.memory_space<vmem>>, vector<1x16xi32>,
      %add3A_216 = arith.constant 144 : i32
      %add3A_217 = vector.broadcast %add3A_216 : i32 to vector<16xi32>
      %add3A_218 = arith.addi %add3A_217, %iota3A : vector<16xi32>
      %sub3A_219 = arith.constant 383 : i32
      %sub3A_220 = vector.broadcast %sub3A_219 : i32 to vector<16xi32>
      %sub3A_221 = arith.subi %sub3A_220, %add3A_218 : vector<16xi32>
      %jit3A_222 = arith.constant 0 : i32
      %jit3A_223 = arith.constant 256 : i32
      %max3A_224 = vector.broadcast %jit3A_222 : i32 to vector<16xi32>
      %max3A_225 = arith.maxsi %max3A_224, %sub3A_221 : vector<16xi32>
      %min3A_226 = vector.broadcast %jit3A_223 : i32 to vector<16xi32>
      %min3A_227 = arith.minsi %min3A_226, %max3A_225 : vector<16xi32>
      %mul3A_228 = arith.constant 12 : i32
      %mul3A_229 = vector.broadcast %mul3A_228 : i32 to vector<16xi32>
      %mul3A_230 = arith.muli %min3A_227, %mul3A_229 : vector<16xi32>
      %add3A_231 = vector.broadcast %add3A : i32 to vector<16xi32>
      %add3A_232 = arith.addi %mul3A_230, %add3A_231 : vector<16xi32>
      %swap3A_233 = arith.constant 1 : i32
      %swap3A_234 = arith.index_cast %swap3A_233 : i32 to index
      %swap3A_235 = arith.constant 16 : index
      %swap3A_236 = tpu.vector_load %arg4[%swap3A_234, %swap3A_235] {strides = array<i32>} : memref<4x128xi32, #tpu.memory_space<vmem>>, vector<1x16xi32>,
      %swap3A_237 = vector.shape_cast %swap3A_236 : vector<1x16xi32> to vector<16xi32>
      %swap3A_238 = vector.shape_cast %add3A_232 : vector<16xi32> to vector<1x16xi32>
      tpu.vector_store %arg4[%swap3A_234, %swap3A_235], %swap3A_238 {strides = array<i32>} : memref<4x128xi32, #tpu.memory_space<vmem>>, vector<1x16xi32>,
      %add3A_239 = arith.constant 160 : i32
      %add3A_240 = vector.broadcast %add3A_239 : i32 to vector<16xi32>
      %add3A_241 = arith.addi %add3A_240, %iota3A : vector<16xi32>
      %sub3A_242 = arith.constant 383 : i32
      %sub3A_243 = vector.broadcast %sub3A_242 : i32 to vector<16xi32>
      %sub3A_244 = arith.subi %sub3A_243, %add3A_241 : vector<16xi32>
      %jit3A_245 = arith.constant 0 : i32
      %jit3A_246 = arith.constant 256 : i32
      %max3A_247 = vector.broadcast %jit3A_245 : i32 to vector<16xi32>
      %max3A_248 = arith.maxsi %max3A_247, %sub3A_244 : vector<16xi32>
      %min3A_249 = vector.broadcast %jit3A_246 : i32 to vector<16xi32>
      %min3A_250 = arith.minsi %min3A_249, %max3A_248 : vector<16xi32>
      %mul3A_251 = arith.constant 12 : i32
      %mul3A_252 = vector.broadcast %mul3A_251 : i32 to vector<16xi32>
      %mul3A_253 = arith.muli %min3A_250, %mul3A_252 : vector<16xi32>
      %add3A_254 = vector.broadcast %add3A : i32 to vector<16xi32>
      %add3A_255 = arith.addi %mul3A_253, %add3A_254 : vector<16xi32>
      %swap3A_256 = arith.constant 1 : i32
      %swap3A_257 = arith.index_cast %swap3A_256 : i32 to index
      %swap3A_258 = arith.constant 32 : index
      %swap3A_259 = tpu.vector_load %arg4[%swap3A_257, %swap3A_258] {strides = array<i32>} : memref<4x128xi32, #tpu.memory_space<vmem>>, vector<1x16xi32>,
      %swap3A_260 = vector.shape_cast %swap3A_259 : vector<1x16xi32> to vector<16xi32>
      %swap3A_261 = vector.shape_cast %add3A_255 : vector<16xi32> to vector<1x16xi32>
      tpu.vector_store %arg4[%swap3A_257, %swap3A_258], %swap3A_261 {strides = array<i32>} : memref<4x128xi32, #tpu.memory_space<vmem>>, vector<1x16xi32>,
      %add3A_262 = arith.constant 176 : i32
      %add3A_263 = vector.broadcast %add3A_262 : i32 to vector<16xi32>
      %add3A_264 = arith.addi %add3A_263, %iota3A : vector<16xi32>
      %sub3A_265 = arith.constant 383 : i32
      %sub3A_266 = vector.broadcast %sub3A_265 : i32 to vector<16xi32>
      %sub3A_267 = arith.subi %sub3A_266, %add3A_264 : vector<16xi32>
      %jit3A_268 = arith.constant 0 : i32
      %jit3A_269 = arith.constant 256 : i32
      %max3A_270 = vector.broadcast %jit3A_268 : i32 to vector<16xi32>
      %max3A_271 = arith.maxsi %max3A_270, %sub3A_267 : vector<16xi32>
      %min3A_272 = vector.broadcast %jit3A_269 : i32 to vector<16xi32>
      %min3A_273 = arith.minsi %min3A_272, %max3A_271 : vector<16xi32>
      %mul3A_274 = arith.constant 12 : i32
      %mul3A_275 = vector.broadcast %mul3A_274 : i32 to vector<16xi32>
      %mul3A_276 = arith.muli %min3A_273, %mul3A_275 : vector<16xi32>
      %add3A_277 = vector.broadcast %add3A : i32 to vector<16xi32>
      %add3A_278 = arith.addi %mul3A_276, %add3A_277 : vector<16xi32>
      %swap3A_279 = arith.constant 1 : i32
      %swap3A_280 = arith.index_cast %swap3A_279 : i32 to index
      %swap3A_281 = arith.constant 48 : index
      %swap3A_282 = tpu.vector_load %arg4[%swap3A_280, %swap3A_281] {strides = array<i32>} : memref<4x128xi32, #tpu.memory_space<vmem>>, vector<1x16xi32>,
      %swap3A_283 = vector.shape_cast %swap3A_282 : vector<1x16xi32> to vector<16xi32>
      %swap3A_284 = vector.shape_cast %add3A_278 : vector<16xi32> to vector<1x16xi32>
      tpu.vector_store %arg4[%swap3A_280, %swap3A_281], %swap3A_284 {strides = array<i32>} : memref<4x128xi32, #tpu.memory_space<vmem>>, vector<1x16xi32>,
      %add3A_285 = arith.constant 192 : i32
      %add3A_286 = vector.broadcast %add3A_285 : i32 to vector<16xi32>
      %add3A_287 = arith.addi %add3A_286, %iota3A : vector<16xi32>
      %sub3A_288 = arith.constant 383 : i32
      %sub3A_289 = vector.broadcast %sub3A_288 : i32 to vector<16xi32>
      %sub3A_290 = arith.subi %sub3A_289, %add3A_287 : vector<16xi32>
      %jit3A_291 = arith.constant 0 : i32
      %jit3A_292 = arith.constant 256 : i32
      %max3A_293 = vector.broadcast %jit3A_291 : i32 to vector<16xi32>
      %max3A_294 = arith.maxsi %max3A_293, %sub3A_290 : vector<16xi32>
      %min3A_295 = vector.broadcast %jit3A_292 : i32 to vector<16xi32>
      %min3A_296 = arith.minsi %min3A_295, %max3A_294 : vector<16xi32>
      %mul3A_297 = arith.constant 12 : i32
      %mul3A_298 = vector.broadcast %mul3A_297 : i32 to vector<16xi32>
      %mul3A_299 = arith.muli %min3A_296, %mul3A_298 : vector<16xi32>
      %add3A_300 = vector.broadcast %add3A : i32 to vector<16xi32>
      %add3A_301 = arith.addi %mul3A_299, %add3A_300 : vector<16xi32>
      %swap3A_302 = arith.constant 1 : i32
      %swap3A_303 = arith.index_cast %swap3A_302 : i32 to index
      %swap3A_304 = arith.constant 64 : index
      %swap3A_305 = tpu.vector_load %arg4[%swap3A_303, %swap3A_304] {strides = array<i32>} : memref<4x128xi32, #tpu.memory_space<vmem>>, vector<1x16xi32>,
      %swap3A_306 = vector.shape_cast %swap3A_305 : vector<1x16xi32> to vector<16xi32>
      %swap3A_307 = vector.shape_cast %add3A_301 : vector<16xi32> to vector<1x16xi32>
      tpu.vector_store %arg4[%swap3A_303, %swap3A_304], %swap3A_307 {strides = array<i32>} : memref<4x128xi32, #tpu.memory_space<vmem>>, vector<1x16xi32>,
      %add3A_308 = arith.constant 208 : i32
      %add3A_309 = vector.broadcast %add3A_308 : i32 to vector<16xi32>
      %add3A_310 = arith.addi %add3A_309, %iota3A : vector<16xi32>
      %sub3A_311 = arith.constant 383 : i32
      %sub3A_312 = vector.broadcast %sub3A_311 : i32 to vector<16xi32>
      %sub3A_313 = arith.subi %sub3A_312, %add3A_310 : vector<16xi32>
      %jit3A_314 = arith.constant 0 : i32
      %jit3A_315 = arith.constant 256 : i32
      %max3A_316 = vector.broadcast %jit3A_314 : i32 to vector<16xi32>
      %max3A_317 = arith.maxsi %max3A_316, %sub3A_313 : vector<16xi32>
      %min3A_318 = vector.broadcast %jit3A_315 : i32 to vector<16xi32>
      %min3A_319 = arith.minsi %min3A_318, %max3A_317 : vector<16xi32>
      %mul3A_320 = arith.constant 12 : i32
      %mul3A_321 = vector.broadcast %mul3A_320 : i32 to vector<16xi32>
      %mul3A_322 = arith.muli %min3A_319, %mul3A_321 : vector<16xi32>
      %add3A_323 = vector.broadcast %add3A : i32 to vector<16xi32>
      %add3A_324 = arith.addi %mul3A_322, %add3A_323 : vector<16xi32>
      %swap3A_325 = arith.constant 1 : i32
      %swap3A_326 = arith.index_cast %swap3A_325 : i32 to index
      %swap3A_327 = arith.constant 80 : index
      %swap3A_328 = tpu.vector_load %arg4[%swap3A_326, %swap3A_327] {strides = array<i32>} : memref<4x128xi32, #tpu.memory_space<vmem>>, vector<1x16xi32>,
      %swap3A_329 = vector.shape_cast %swap3A_328 : vector<1x16xi32> to vector<16xi32>
      %swap3A_330 = vector.shape_cast %add3A_324 : vector<16xi32> to vector<1x16xi32>
      tpu.vector_store %arg4[%swap3A_326, %swap3A_327], %swap3A_330 {strides = array<i32>} : memref<4x128xi32, #tpu.memory_space<vmem>>, vector<1x16xi32>,
      %add3A_331 = arith.constant 224 : i32
      %add3A_332 = vector.broadcast %add3A_331 : i32 to vector<16xi32>
      %add3A_333 = arith.addi %add3A_332, %iota3A : vector<16xi32>
      %sub3A_334 = arith.constant 383 : i32
      %sub3A_335 = vector.broadcast %sub3A_334 : i32 to vector<16xi32>
      %sub3A_336 = arith.subi %sub3A_335, %add3A_333 : vector<16xi32>
      %jit3A_337 = arith.constant 0 : i32
      %jit3A_338 = arith.constant 256 : i32
      %max3A_339 = vector.broadcast %jit3A_337 : i32 to vector<16xi32>
      %max3A_340 = arith.maxsi %max3A_339, %sub3A_336 : vector<16xi32>
      %min3A_341 = vector.broadcast %jit3A_338 : i32 to vector<16xi32>
      %min3A_342 = arith.minsi %min3A_341, %max3A_340 : vector<16xi32>
      %mul3A_343 = arith.constant 12 : i32
      %mul3A_344 = vector.broadcast %mul3A_343 : i32 to vector<16xi32>
      %mul3A_345 = arith.muli %min3A_342, %mul3A_344 : vector<16xi32>
      %add3A_346 = vector.broadcast %add3A : i32 to vector<16xi32>
      %add3A_347 = arith.addi %mul3A_345, %add3A_346 : vector<16xi32>
      %swap3A_348 = arith.constant 1 : i32
      %swap3A_349 = arith.index_cast %swap3A_348 : i32 to index
      %swap3A_350 = arith.constant 96 : index
      %swap3A_351 = tpu.vector_load %arg4[%swap3A_349, %swap3A_350] {strides = array<i32>} : memref<4x128xi32, #tpu.memory_space<vmem>>, vector<1x16xi32>,
      %swap3A_352 = vector.shape_cast %swap3A_351 : vector<1x16xi32> to vector<16xi32>
      %swap3A_353 = vector.shape_cast %add3A_347 : vector<16xi32> to vector<1x16xi32>
      tpu.vector_store %arg4[%swap3A_349, %swap3A_350], %swap3A_353 {strides = array<i32>} : memref<4x128xi32, #tpu.memory_space<vmem>>, vector<1x16xi32>,
      %add3A_354 = arith.constant 240 : i32
      %add3A_355 = vector.broadcast %add3A_354 : i32 to vector<16xi32>
      %add3A_356 = arith.addi %add3A_355, %iota3A : vector<16xi32>
      %sub3A_357 = arith.constant 383 : i32
      %sub3A_358 = vector.broadcast %sub3A_357 : i32 to vector<16xi32>
      %sub3A_359 = arith.subi %sub3A_358, %add3A_356 : vector<16xi32>
      %jit3A_360 = arith.constant 0 : i32
      %jit3A_361 = arith.constant 256 : i32
      %max3A_362 = vector.broadcast %jit3A_360 : i32 to vector<16xi32>
      %max3A_363 = arith.maxsi %max3A_362, %sub3A_359 : vector<16xi32>
      %min3A_364 = vector.broadcast %jit3A_361 : i32 to vector<16xi32>
      %min3A_365 = arith.minsi %min3A_364, %max3A_363 : vector<16xi32>
      %mul3A_366 = arith.constant 12 : i32
      %mul3A_367 = vector.broadcast %mul3A_366 : i32 to vector<16xi32>
      %mul3A_368 = arith.muli %min3A_365, %mul3A_367 : vector<16xi32>
      %add3A_369 = vector.broadcast %add3A : i32 to vector<16xi32>
      %add3A_370 = arith.addi %mul3A_368, %add3A_369 : vector<16xi32>
      %swap3A_371 = arith.constant 1 : i32
      %swap3A_372 = arith.index_cast %swap3A_371 : i32 to index
      %swap3A_373 = arith.constant 112 : index
      %swap3A_374 = tpu.vector_load %arg4[%swap3A_372, %swap3A_373] {strides = array<i32>} : memref<4x128xi32, #tpu.memory_space<vmem>>, vector<1x16xi32>,
      %swap3A_375 = vector.shape_cast %swap3A_374 : vector<1x16xi32> to vector<16xi32>
      %swap3A_376 = vector.shape_cast %add3A_370 : vector<16xi32> to vector<1x16xi32>
      tpu.vector_store %arg4[%swap3A_372, %swap3A_373], %swap3A_376 {strides = array<i32>} : memref<4x128xi32, #tpu.memory_space<vmem>>, vector<1x16xi32>,
      %add3A_377 = arith.constant 256 : i32
      %add3A_378 = vector.broadcast %add3A_377 : i32 to vector<16xi32>
      %add3A_379 = arith.addi %add3A_378, %iota3A : vector<16xi32>
      %sub3A_380 = arith.constant 383 : i32
      %sub3A_381 = vector.broadcast %sub3A_380 : i32 to vector<16xi32>
      %sub3A_382 = arith.subi %sub3A_381, %add3A_379 : vector<16xi32>
      %jit3A_383 = arith.constant 0 : i32
      %jit3A_384 = arith.constant 256 : i32
      %max3A_385 = vector.broadcast %jit3A_383 : i32 to vector<16xi32>
      %max3A_386 = arith.maxsi %max3A_385, %sub3A_382 : vector<16xi32>
      %min3A_387 = vector.broadcast %jit3A_384 : i32 to vector<16xi32>
      %min3A_388 = arith.minsi %min3A_387, %max3A_386 : vector<16xi32>
      %mul3A_389 = arith.constant 12 : i32
      %mul3A_390 = vector.broadcast %mul3A_389 : i32 to vector<16xi32>
      %mul3A_391 = arith.muli %min3A_388, %mul3A_390 : vector<16xi32>
      %add3A_392 = vector.broadcast %add3A : i32 to vector<16xi32>
      %add3A_393 = arith.addi %mul3A_391, %add3A_392 : vector<16xi32>
      %swap3A_394 = arith.constant 2 : i32
      %swap3A_395 = arith.index_cast %swap3A_394 : i32 to index
      %swap3A_396 = arith.constant 0 : index
      %swap3A_397 = tpu.vector_load %arg4[%swap3A_395, %swap3A_396] {strides = array<i32>} : memref<4x128xi32, #tpu.memory_space<vmem>>, vector<1x16xi32>,
      %swap3A_398 = vector.shape_cast %swap3A_397 : vector<1x16xi32> to vector<16xi32>
      %swap3A_399 = vector.shape_cast %add3A_393 : vector<16xi32> to vector<1x16xi32>
      tpu.vector_store %arg4[%swap3A_395, %swap3A_396], %swap3A_399 {strides = array<i32>} : memref<4x128xi32, #tpu.memory_space<vmem>>, vector<1x16xi32>,
      %add3A_400 = arith.constant 272 : i32
      %add3A_401 = vector.broadcast %add3A_400 : i32 to vector<16xi32>
      %add3A_402 = arith.addi %add3A_401, %iota3A : vector<16xi32>
      %sub3A_403 = arith.constant 383 : i32
      %sub3A_404 = vector.broadcast %sub3A_403 : i32 to vector<16xi32>
      %sub3A_405 = arith.subi %sub3A_404, %add3A_402 : vector<16xi32>
      %jit3A_406 = arith.constant 0 : i32
      %jit3A_407 = arith.constant 256 : i32
      %max3A_408 = vector.broadcast %jit3A_406 : i32 to vector<16xi32>
      %max3A_409 = arith.maxsi %max3A_408, %sub3A_405 : vector<16xi32>
      %min3A_410 = vector.broadcast %jit3A_407 : i32 to vector<16xi32>
      %min3A_411 = arith.minsi %min3A_410, %max3A_409 : vector<16xi32>
      %mul3A_412 = arith.constant 12 : i32
      %mul3A_413 = vector.broadcast %mul3A_412 : i32 to vector<16xi32>
      %mul3A_414 = arith.muli %min3A_411, %mul3A_413 : vector<16xi32>
      %add3A_415 = vector.broadcast %add3A : i32 to vector<16xi32>
      %add3A_416 = arith.addi %mul3A_414, %add3A_415 : vector<16xi32>
      %swap3A_417 = arith.constant 2 : i32
      %swap3A_418 = arith.index_cast %swap3A_417 : i32 to index
      %swap3A_419 = arith.constant 16 : index
      %swap3A_420 = tpu.vector_load %arg4[%swap3A_418, %swap3A_419] {strides = array<i32>} : memref<4x128xi32, #tpu.memory_space<vmem>>, vector<1x16xi32>,
      %swap3A_421 = vector.shape_cast %swap3A_420 : vector<1x16xi32> to vector<16xi32>
      %swap3A_422 = vector.shape_cast %add3A_416 : vector<16xi32> to vector<1x16xi32>
      tpu.vector_store %arg4[%swap3A_418, %swap3A_419], %swap3A_422 {strides = array<i32>} : memref<4x128xi32, #tpu.memory_space<vmem>>, vector<1x16xi32>,
      %add3A_423 = arith.constant 288 : i32
      %add3A_424 = vector.broadcast %add3A_423 : i32 to vector<16xi32>
      %add3A_425 = arith.addi %add3A_424, %iota3A : vector<16xi32>
      %sub3A_426 = arith.constant 383 : i32
      %sub3A_427 = vector.broadcast %sub3A_426 : i32 to vector<16xi32>
      %sub3A_428 = arith.subi %sub3A_427, %add3A_425 : vector<16xi32>
      %jit3A_429 = arith.constant 0 : i32
      %jit3A_430 = arith.constant 256 : i32
      %max3A_431 = vector.broadcast %jit3A_429 : i32 to vector<16xi32>
      %max3A_432 = arith.maxsi %max3A_431, %sub3A_428 : vector<16xi32>
      %min3A_433 = vector.broadcast %jit3A_430 : i32 to vector<16xi32>
      %min3A_434 = arith.minsi %min3A_433, %max3A_432 : vector<16xi32>
      %mul3A_435 = arith.constant 12 : i32
      %mul3A_436 = vector.broadcast %mul3A_435 : i32 to vector<16xi32>
      %mul3A_437 = arith.muli %min3A_434, %mul3A_436 : vector<16xi32>
      %add3A_438 = vector.broadcast %add3A : i32 to vector<16xi32>
      %add3A_439 = arith.addi %mul3A_437, %add3A_438 : vector<16xi32>
      %swap3A_440 = arith.constant 2 : i32
      %swap3A_441 = arith.index_cast %swap3A_440 : i32 to index
      %swap3A_442 = arith.constant 32 : index
      %swap3A_443 = tpu.vector_load %arg4[%swap3A_441, %swap3A_442] {strides = array<i32>} : memref<4x128xi32, #tpu.memory_space<vmem>>, vector<1x16xi32>,
      %swap3A_444 = vector.shape_cast %swap3A_443 : vector<1x16xi32> to vector<16xi32>
      %swap3A_445 = vector.shape_cast %add3A_439 : vector<16xi32> to vector<1x16xi32>
      tpu.vector_store %arg4[%swap3A_441, %swap3A_442], %swap3A_445 {strides = array<i32>} : memref<4x128xi32, #tpu.memory_space<vmem>>, vector<1x16xi32>,
      %add3A_446 = arith.constant 304 : i32
      %add3A_447 = vector.broadcast %add3A_446 : i32 to vector<16xi32>
      %add3A_448 = arith.addi %add3A_447, %iota3A : vector<16xi32>
      %sub3A_449 = arith.constant 383 : i32
      %sub3A_450 = vector.broadcast %sub3A_449 : i32 to vector<16xi32>
      %sub3A_451 = arith.subi %sub3A_450, %add3A_448 : vector<16xi32>
      %jit3A_452 = arith.constant 0 : i32
      %jit3A_453 = arith.constant 256 : i32
      %max3A_454 = vector.broadcast %jit3A_452 : i32 to vector<16xi32>
      %max3A_455 = arith.maxsi %max3A_454, %sub3A_451 : vector<16xi32>
      %min3A_456 = vector.broadcast %jit3A_453 : i32 to vector<16xi32>
      %min3A_457 = arith.minsi %min3A_456, %max3A_455 : vector<16xi32>
      %mul3A_458 = arith.constant 12 : i32
      %mul3A_459 = vector.broadcast %mul3A_458 : i32 to vector<16xi32>
      %mul3A_460 = arith.muli %min3A_457, %mul3A_459 : vector<16xi32>
      %add3A_461 = vector.broadcast %add3A : i32 to vector<16xi32>
      %add3A_462 = arith.addi %mul3A_460, %add3A_461 : vector<16xi32>
      %swap3A_463 = arith.constant 2 : i32
      %swap3A_464 = arith.index_cast %swap3A_463 : i32 to index
      %swap3A_465 = arith.constant 48 : index
      %swap3A_466 = tpu.vector_load %arg4[%swap3A_464, %swap3A_465] {strides = array<i32>} : memref<4x128xi32, #tpu.memory_space<vmem>>, vector<1x16xi32>,
      %swap3A_467 = vector.shape_cast %swap3A_466 : vector<1x16xi32> to vector<16xi32>
      %swap3A_468 = vector.shape_cast %add3A_462 : vector<16xi32> to vector<1x16xi32>
      tpu.vector_store %arg4[%swap3A_464, %swap3A_465], %swap3A_468 {strides = array<i32>} : memref<4x128xi32, #tpu.memory_space<vmem>>, vector<1x16xi32>,
      %add3A_469 = arith.constant 320 : i32
      %add3A_470 = vector.broadcast %add3A_469 : i32 to vector<16xi32>
      %add3A_471 = arith.addi %add3A_470, %iota3A : vector<16xi32>
      %sub3A_472 = arith.constant 383 : i32
      %sub3A_473 = vector.broadcast %sub3A_472 : i32 to vector<16xi32>
      %sub3A_474 = arith.subi %sub3A_473, %add3A_471 : vector<16xi32>
      %jit3A_475 = arith.constant 0 : i32
      %jit3A_476 = arith.constant 256 : i32
      %max3A_477 = vector.broadcast %jit3A_475 : i32 to vector<16xi32>
      %max3A_478 = arith.maxsi %max3A_477, %sub3A_474 : vector<16xi32>
      %min3A_479 = vector.broadcast %jit3A_476 : i32 to vector<16xi32>
      %min3A_480 = arith.minsi %min3A_479, %max3A_478 : vector<16xi32>
      %mul3A_481 = arith.constant 12 : i32
      %mul3A_482 = vector.broadcast %mul3A_481 : i32 to vector<16xi32>
      %mul3A_483 = arith.muli %min3A_480, %mul3A_482 : vector<16xi32>
      %add3A_484 = vector.broadcast %add3A : i32 to vector<16xi32>
      %add3A_485 = arith.addi %mul3A_483, %add3A_484 : vector<16xi32>
      %swap3A_486 = arith.constant 2 : i32
      %swap3A_487 = arith.index_cast %swap3A_486 : i32 to index
      %swap3A_488 = arith.constant 64 : index
      %swap3A_489 = tpu.vector_load %arg4[%swap3A_487, %swap3A_488] {strides = array<i32>} : memref<4x128xi32, #tpu.memory_space<vmem>>, vector<1x16xi32>,
      %swap3A_490 = vector.shape_cast %swap3A_489 : vector<1x16xi32> to vector<16xi32>
      %swap3A_491 = vector.shape_cast %add3A_485 : vector<16xi32> to vector<1x16xi32>
      tpu.vector_store %arg4[%swap3A_487, %swap3A_488], %swap3A_491 {strides = array<i32>} : memref<4x128xi32, #tpu.memory_space<vmem>>, vector<1x16xi32>,
      %add3A_492 = arith.constant 336 : i32
      %add3A_493 = vector.broadcast %add3A_492 : i32 to vector<16xi32>
      %add3A_494 = arith.addi %add3A_493, %iota3A : vector<16xi32>
      %sub3A_495 = arith.constant 383 : i32
      %sub3A_496 = vector.broadcast %sub3A_495 : i32 to vector<16xi32>
      %sub3A_497 = arith.subi %sub3A_496, %add3A_494 : vector<16xi32>
      %jit3A_498 = arith.constant 0 : i32
      %jit3A_499 = arith.constant 256 : i32
      %max3A_500 = vector.broadcast %jit3A_498 : i32 to vector<16xi32>
      %max3A_501 = arith.maxsi %max3A_500, %sub3A_497 : vector<16xi32>
      %min3A_502 = vector.broadcast %jit3A_499 : i32 to vector<16xi32>
      %min3A_503 = arith.minsi %min3A_502, %max3A_501 : vector<16xi32>
      %mul3A_504 = arith.constant 12 : i32
      %mul3A_505 = vector.broadcast %mul3A_504 : i32 to vector<16xi32>
      %mul3A_506 = arith.muli %min3A_503, %mul3A_505 : vector<16xi32>
      %add3A_507 = vector.broadcast %add3A : i32 to vector<16xi32>
      %add3A_508 = arith.addi %mul3A_506, %add3A_507 : vector<16xi32>
      %swap3A_509 = arith.constant 2 : i32
      %swap3A_510 = arith.index_cast %swap3A_509 : i32 to index
      %swap3A_511 = arith.constant 80 : index
      %swap3A_512 = tpu.vector_load %arg4[%swap3A_510, %swap3A_511] {strides = array<i32>} : memref<4x128xi32, #tpu.memory_space<vmem>>, vector<1x16xi32>,
      %swap3A_513 = vector.shape_cast %swap3A_512 : vector<1x16xi32> to vector<16xi32>
      %swap3A_514 = vector.shape_cast %add3A_508 : vector<16xi32> to vector<1x16xi32>
      tpu.vector_store %arg4[%swap3A_510, %swap3A_511], %swap3A_514 {strides = array<i32>} : memref<4x128xi32, #tpu.memory_space<vmem>>, vector<1x16xi32>,
      %add3A_515 = arith.constant 352 : i32
      %add3A_516 = vector.broadcast %add3A_515 : i32 to vector<16xi32>
      %add3A_517 = arith.addi %add3A_516, %iota3A : vector<16xi32>
      %sub3A_518 = arith.constant 383 : i32
      %sub3A_519 = vector.broadcast %sub3A_518 : i32 to vector<16xi32>
      %sub3A_520 = arith.subi %sub3A_519, %add3A_517 : vector<16xi32>
      %jit3A_521 = arith.constant 0 : i32
      %jit3A_522 = arith.constant 256 : i32
      %max3A_523 = vector.broadcast %jit3A_521 : i32 to vector<16xi32>
      %max3A_524 = arith.maxsi %max3A_523, %sub3A_520 : vector<16xi32>
      %min3A_525 = vector.broadcast %jit3A_522 : i32 to vector<16xi32>
      %min3A_526 = arith.minsi %min3A_525, %max3A_524 : vector<16xi32>
      %mul3A_527 = arith.constant 12 : i32
      %mul3A_528 = vector.broadcast %mul3A_527 : i32 to vector<16xi32>
      %mul3A_529 = arith.muli %min3A_526, %mul3A_528 : vector<16xi32>
      %add3A_530 = vector.broadcast %add3A : i32 to vector<16xi32>
      %add3A_531 = arith.addi %mul3A_529, %add3A_530 : vector<16xi32>
      %swap3A_532 = arith.constant 2 : i32
      %swap3A_533 = arith.index_cast %swap3A_532 : i32 to index
      %swap3A_534 = arith.constant 96 : index
      %swap3A_535 = tpu.vector_load %arg4[%swap3A_533, %swap3A_534] {strides = array<i32>} : memref<4x128xi32, #tpu.memory_space<vmem>>, vector<1x16xi32>,
      %swap3A_536 = vector.shape_cast %swap3A_535 : vector<1x16xi32> to vector<16xi32>
      %swap3A_537 = vector.shape_cast %add3A_531 : vector<16xi32> to vector<1x16xi32>
      tpu.vector_store %arg4[%swap3A_533, %swap3A_534], %swap3A_537 {strides = array<i32>} : memref<4x128xi32, #tpu.memory_space<vmem>>, vector<1x16xi32>,
      %add3A_538 = arith.constant 368 : i32
      %add3A_539 = vector.broadcast %add3A_538 : i32 to vector<16xi32>
      %add3A_540 = arith.addi %add3A_539, %iota3A : vector<16xi32>
      %sub3A_541 = arith.constant 383 : i32
      %sub3A_542 = vector.broadcast %sub3A_541 : i32 to vector<16xi32>
      %sub3A_543 = arith.subi %sub3A_542, %add3A_540 : vector<16xi32>
      %jit3A_544 = arith.constant 0 : i32
      %jit3A_545 = arith.constant 256 : i32
      %max3A_546 = vector.broadcast %jit3A_544 : i32 to vector<16xi32>
      %max3A_547 = arith.maxsi %max3A_546, %sub3A_543 : vector<16xi32>
      %min3A_548 = vector.broadcast %jit3A_545 : i32 to vector<16xi32>
      %min3A_549 = arith.minsi %min3A_548, %max3A_547 : vector<16xi32>
      %mul3A_550 = arith.constant 12 : i32
      %mul3A_551 = vector.broadcast %mul3A_550 : i32 to vector<16xi32>
      %mul3A_552 = arith.muli %min3A_549, %mul3A_551 : vector<16xi32>
      %add3A_553 = vector.broadcast %add3A : i32 to vector<16xi32>
      %add3A_554 = arith.addi %mul3A_552, %add3A_553 : vector<16xi32>
      %swap3A_555 = arith.constant 2 : i32
      %swap3A_556 = arith.index_cast %swap3A_555 : i32 to index
      %swap3A_557 = arith.constant 112 : index
      %swap3A_558 = tpu.vector_load %arg4[%swap3A_556, %swap3A_557] {strides = array<i32>} : memref<4x128xi32, #tpu.memory_space<vmem>>, vector<1x16xi32>,
      %swap3A_559 = vector.shape_cast %swap3A_558 : vector<1x16xi32> to vector<16xi32>
      %swap3A_560 = vector.shape_cast %add3A_554 : vector<16xi32> to vector<1x16xi32>
      tpu.vector_store %arg4[%swap3A_556, %swap3A_557], %swap3A_560 {strides = array<i32>} : memref<4x128xi32, #tpu.memory_space<vmem>>, vector<1x16xi32>,
      %add3A_561 = arith.constant 384 : i32
      %add3A_562 = vector.broadcast %add3A_561 : i32 to vector<16xi32>
      %add3A_563 = arith.addi %add3A_562, %iota3A : vector<16xi32>
      %sub3A_564 = arith.constant 383 : i32
      %sub3A_565 = vector.broadcast %sub3A_564 : i32 to vector<16xi32>
      %sub3A_566 = arith.subi %sub3A_565, %add3A_563 : vector<16xi32>
      %jit3A_567 = arith.constant 0 : i32
      %jit3A_568 = arith.constant 256 : i32
      %max3A_569 = vector.broadcast %jit3A_567 : i32 to vector<16xi32>
      %max3A_570 = arith.maxsi %max3A_569, %sub3A_566 : vector<16xi32>
      %min3A_571 = vector.broadcast %jit3A_568 : i32 to vector<16xi32>
      %min3A_572 = arith.minsi %min3A_571, %max3A_570 : vector<16xi32>
      %mul3A_573 = arith.constant 12 : i32
      %mul3A_574 = vector.broadcast %mul3A_573 : i32 to vector<16xi32>
      %mul3A_575 = arith.muli %min3A_572, %mul3A_574 : vector<16xi32>
      %add3A_576 = vector.broadcast %add3A : i32 to vector<16xi32>
      %add3A_577 = arith.addi %mul3A_575, %add3A_576 : vector<16xi32>
      %swap3A_578 = arith.constant 3 : i32
      %swap3A_579 = arith.index_cast %swap3A_578 : i32 to index
      %swap3A_580 = arith.constant 0 : index
      %swap3A_581 = tpu.vector_load %arg4[%swap3A_579, %swap3A_580] {strides = array<i32>} : memref<4x128xi32, #tpu.memory_space<vmem>>, vector<1x16xi32>,
      %swap3A_582 = vector.shape_cast %swap3A_581 : vector<1x16xi32> to vector<16xi32>
      %swap3A_583 = vector.shape_cast %add3A_577 : vector<16xi32> to vector<1x16xi32>
      tpu.vector_store %arg4[%swap3A_579, %swap3A_580], %swap3A_583 {strides = array<i32>} : memref<4x128xi32, #tpu.memory_space<vmem>>, vector<1x16xi32>,
      %add3A_584 = arith.constant 400 : i32
      %add3A_585 = vector.broadcast %add3A_584 : i32 to vector<16xi32>
      %add3A_586 = arith.addi %add3A_585, %iota3A : vector<16xi32>
      %sub3A_587 = arith.constant 383 : i32
      %sub3A_588 = vector.broadcast %sub3A_587 : i32 to vector<16xi32>
      %sub3A_589 = arith.subi %sub3A_588, %add3A_586 : vector<16xi32>
      %jit3A_590 = arith.constant 0 : i32
      %jit3A_591 = arith.constant 256 : i32
      %max3A_592 = vector.broadcast %jit3A_590 : i32 to vector<16xi32>
      %max3A_593 = arith.maxsi %max3A_592, %sub3A_589 : vector<16xi32>
      %min3A_594 = vector.broadcast %jit3A_591 : i32 to vector<16xi32>
      %min3A_595 = arith.minsi %min3A_594, %max3A_593 : vector<16xi32>
      %mul3A_596 = arith.constant 12 : i32
      %mul3A_597 = vector.broadcast %mul3A_596 : i32 to vector<16xi32>
      %mul3A_598 = arith.muli %min3A_595, %mul3A_597 : vector<16xi32>
      %add3A_599 = vector.broadcast %add3A : i32 to vector<16xi32>
      %add3A_600 = arith.addi %mul3A_598, %add3A_599 : vector<16xi32>
      %swap3A_601 = arith.constant 3 : i32
      %swap3A_602 = arith.index_cast %swap3A_601 : i32 to index
      %swap3A_603 = arith.constant 16 : index
      %swap3A_604 = tpu.vector_load %arg4[%swap3A_602, %swap3A_603] {strides = array<i32>} : memref<4x128xi32, #tpu.memory_space<vmem>>, vector<1x16xi32>,
      %swap3A_605 = vector.shape_cast %swap3A_604 : vector<1x16xi32> to vector<16xi32>
      %swap3A_606 = vector.shape_cast %add3A_600 : vector<16xi32> to vector<1x16xi32>
      tpu.vector_store %arg4[%swap3A_602, %swap3A_603], %swap3A_606 {strides = array<i32>} : memref<4x128xi32, #tpu.memory_space<vmem>>, vector<1x16xi32>,
      %add3A_607 = arith.constant 416 : i32
      %add3A_608 = vector.broadcast %add3A_607 : i32 to vector<16xi32>
      %add3A_609 = arith.addi %add3A_608, %iota3A : vector<16xi32>
      %sub3A_610 = arith.constant 383 : i32
      %sub3A_611 = vector.broadcast %sub3A_610 : i32 to vector<16xi32>
      %sub3A_612 = arith.subi %sub3A_611, %add3A_609 : vector<16xi32>
      %jit3A_613 = arith.constant 0 : i32
      %jit3A_614 = arith.constant 256 : i32
      %max3A_615 = vector.broadcast %jit3A_613 : i32 to vector<16xi32>
      %max3A_616 = arith.maxsi %max3A_615, %sub3A_612 : vector<16xi32>
      %min3A_617 = vector.broadcast %jit3A_614 : i32 to vector<16xi32>
      %min3A_618 = arith.minsi %min3A_617, %max3A_616 : vector<16xi32>
      %mul3A_619 = arith.constant 12 : i32
      %mul3A_620 = vector.broadcast %mul3A_619 : i32 to vector<16xi32>
      %mul3A_621 = arith.muli %min3A_618, %mul3A_620 : vector<16xi32>
      %add3A_622 = vector.broadcast %add3A : i32 to vector<16xi32>
      %add3A_623 = arith.addi %mul3A_621, %add3A_622 : vector<16xi32>
      %swap3A_624 = arith.constant 3 : i32
      %swap3A_625 = arith.index_cast %swap3A_624 : i32 to index
      %swap3A_626 = arith.constant 32 : index
      %swap3A_627 = tpu.vector_load %arg4[%swap3A_625, %swap3A_626] {strides = array<i32>} : memref<4x128xi32, #tpu.memory_space<vmem>>, vector<1x16xi32>,
      %swap3A_628 = vector.shape_cast %swap3A_627 : vector<1x16xi32> to vector<16xi32>
      %swap3A_629 = vector.shape_cast %add3A_623 : vector<16xi32> to vector<1x16xi32>
      tpu.vector_store %arg4[%swap3A_625, %swap3A_626], %swap3A_629 {strides = array<i32>} : memref<4x128xi32, #tpu.memory_space<vmem>>, vector<1x16xi32>,
      %add3A_630 = arith.constant 432 : i32
      %add3A_631 = vector.broadcast %add3A_630 : i32 to vector<16xi32>
      %add3A_632 = arith.addi %add3A_631, %iota3A : vector<16xi32>
      %sub3A_633 = arith.constant 383 : i32
      %sub3A_634 = vector.broadcast %sub3A_633 : i32 to vector<16xi32>
      %sub3A_635 = arith.subi %sub3A_634, %add3A_632 : vector<16xi32>
      %jit3A_636 = arith.constant 0 : i32
      %jit3A_637 = arith.constant 256 : i32
      %max3A_638 = vector.broadcast %jit3A_636 : i32 to vector<16xi32>
      %max3A_639 = arith.maxsi %max3A_638, %sub3A_635 : vector<16xi32>
      %min3A_640 = vector.broadcast %jit3A_637 : i32 to vector<16xi32>
      %min3A_641 = arith.minsi %min3A_640, %max3A_639 : vector<16xi32>
      %mul3A_642 = arith.constant 12 : i32
      %mul3A_643 = vector.broadcast %mul3A_642 : i32 to vector<16xi32>
      %mul3A_644 = arith.muli %min3A_641, %mul3A_643 : vector<16xi32>
      %add3A_645 = vector.broadcast %add3A : i32 to vector<16xi32>
      %add3A_646 = arith.addi %mul3A_644, %add3A_645 : vector<16xi32>
      %swap3A_647 = arith.constant 3 : i32
      %swap3A_648 = arith.index_cast %swap3A_647 : i32 to index
      %swap3A_649 = arith.constant 48 : index
      %swap3A_650 = tpu.vector_load %arg4[%swap3A_648, %swap3A_649] {strides = array<i32>} : memref<4x128xi32, #tpu.memory_space<vmem>>, vector<1x16xi32>,
      %swap3A_651 = vector.shape_cast %swap3A_650 : vector<1x16xi32> to vector<16xi32>
      %swap3A_652 = vector.shape_cast %add3A_646 : vector<16xi32> to vector<1x16xi32>
      tpu.vector_store %arg4[%swap3A_648, %swap3A_649], %swap3A_652 {strides = array<i32>} : memref<4x128xi32, #tpu.memory_space<vmem>>, vector<1x16xi32>,
      %add3A_653 = arith.constant 448 : i32
      %add3A_654 = vector.broadcast %add3A_653 : i32 to vector<16xi32>
      %add3A_655 = arith.addi %add3A_654, %iota3A : vector<16xi32>
      %sub3A_656 = arith.constant 383 : i32
      %sub3A_657 = vector.broadcast %sub3A_656 : i32 to vector<16xi32>
      %sub3A_658 = arith.subi %sub3A_657, %add3A_655 : vector<16xi32>
      %jit3A_659 = arith.constant 0 : i32
      %jit3A_660 = arith.constant 256 : i32
      %max3A_661 = vector.broadcast %jit3A_659 : i32 to vector<16xi32>
      %max3A_662 = arith.maxsi %max3A_661, %sub3A_658 : vector<16xi32>
      %min3A_663 = vector.broadcast %jit3A_660 : i32 to vector<16xi32>
      %min3A_664 = arith.minsi %min3A_663, %max3A_662 : vector<16xi32>
      %mul3A_665 = arith.constant 12 : i32
      %mul3A_666 = vector.broadcast %mul3A_665 : i32 to vector<16xi32>
      %mul3A_667 = arith.muli %min3A_664, %mul3A_666 : vector<16xi32>
      %add3A_668 = vector.broadcast %add3A : i32 to vector<16xi32>
      %add3A_669 = arith.addi %mul3A_667, %add3A_668 : vector<16xi32>
      %swap3A_670 = arith.constant 3 : i32
      %swap3A_671 = arith.index_cast %swap3A_670 : i32 to index
      %swap3A_672 = arith.constant 64 : index
      %swap3A_673 = tpu.vector_load %arg4[%swap3A_671, %swap3A_672] {strides = array<i32>} : memref<4x128xi32, #tpu.memory_space<vmem>>, vector<1x16xi32>,
      %swap3A_674 = vector.shape_cast %swap3A_673 : vector<1x16xi32> to vector<16xi32>
      %swap3A_675 = vector.shape_cast %add3A_669 : vector<16xi32> to vector<1x16xi32>
      tpu.vector_store %arg4[%swap3A_671, %swap3A_672], %swap3A_675 {strides = array<i32>} : memref<4x128xi32, #tpu.memory_space<vmem>>, vector<1x16xi32>,
      %add3A_676 = arith.constant 464 : i32
      %add3A_677 = vector.broadcast %add3A_676 : i32 to vector<16xi32>
      %add3A_678 = arith.addi %add3A_677, %iota3A : vector<16xi32>
      %sub3A_679 = arith.constant 383 : i32
      %sub3A_680 = vector.broadcast %sub3A_679 : i32 to vector<16xi32>
      %sub3A_681 = arith.subi %sub3A_680, %add3A_678 : vector<16xi32>
      %jit3A_682 = arith.constant 0 : i32
      %jit3A_683 = arith.constant 256 : i32
      %max3A_684 = vector.broadcast %jit3A_682 : i32 to vector<16xi32>
      %max3A_685 = arith.maxsi %max3A_684, %sub3A_681 : vector<16xi32>
      %min3A_686 = vector.broadcast %jit3A_683 : i32 to vector<16xi32>
      %min3A_687 = arith.minsi %min3A_686, %max3A_685 : vector<16xi32>
      %mul3A_688 = arith.constant 12 : i32
      %mul3A_689 = vector.broadcast %mul3A_688 : i32 to vector<16xi32>
      %mul3A_690 = arith.muli %min3A_687, %mul3A_689 : vector<16xi32>
      %add3A_691 = vector.broadcast %add3A : i32 to vector<16xi32>
      %add3A_692 = arith.addi %mul3A_690, %add3A_691 : vector<16xi32>
      %swap3A_693 = arith.constant 3 : i32
      %swap3A_694 = arith.index_cast %swap3A_693 : i32 to index
      %swap3A_695 = arith.constant 80 : index
      %swap3A_696 = tpu.vector_load %arg4[%swap3A_694, %swap3A_695] {strides = array<i32>} : memref<4x128xi32, #tpu.memory_space<vmem>>, vector<1x16xi32>,
      %swap3A_697 = vector.shape_cast %swap3A_696 : vector<1x16xi32> to vector<16xi32>
      %swap3A_698 = vector.shape_cast %add3A_692 : vector<16xi32> to vector<1x16xi32>
      tpu.vector_store %arg4[%swap3A_694, %swap3A_695], %swap3A_698 {strides = array<i32>} : memref<4x128xi32, #tpu.memory_space<vmem>>, vector<1x16xi32>,
      %add3A_699 = arith.constant 480 : i32
      %add3A_700 = vector.broadcast %add3A_699 : i32 to vector<16xi32>
      %add3A_701 = arith.addi %add3A_700, %iota3A : vector<16xi32>
      %sub3A_702 = arith.constant 383 : i32
      %sub3A_703 = vector.broadcast %sub3A_702 : i32 to vector<16xi32>
      %sub3A_704 = arith.subi %sub3A_703, %add3A_701 : vector<16xi32>
      %jit3A_705 = arith.constant 0 : i32
      %jit3A_706 = arith.constant 256 : i32
      %max3A_707 = vector.broadcast %jit3A_705 : i32 to vector<16xi32>
      %max3A_708 = arith.maxsi %max3A_707, %sub3A_704 : vector<16xi32>
      %min3A_709 = vector.broadcast %jit3A_706 : i32 to vector<16xi32>
      %min3A_710 = arith.minsi %min3A_709, %max3A_708 : vector<16xi32>
      %mul3A_711 = arith.constant 12 : i32
      %mul3A_712 = vector.broadcast %mul3A_711 : i32 to vector<16xi32>
      %mul3A_713 = arith.muli %min3A_710, %mul3A_712 : vector<16xi32>
      %add3A_714 = vector.broadcast %add3A : i32 to vector<16xi32>
      %add3A_715 = arith.addi %mul3A_713, %add3A_714 : vector<16xi32>
      %swap3A_716 = arith.constant 3 : i32
      %swap3A_717 = arith.index_cast %swap3A_716 : i32 to index
      %swap3A_718 = arith.constant 96 : index
      %swap3A_719 = tpu.vector_load %arg4[%swap3A_717, %swap3A_718] {strides = array<i32>} : memref<4x128xi32, #tpu.memory_space<vmem>>, vector<1x16xi32>,
      %swap3A_720 = vector.shape_cast %swap3A_719 : vector<1x16xi32> to vector<16xi32>
      %swap3A_721 = vector.shape_cast %add3A_715 : vector<16xi32> to vector<1x16xi32>
      tpu.vector_store %arg4[%swap3A_717, %swap3A_718], %swap3A_721 {strides = array<i32>} : memref<4x128xi32, #tpu.memory_space<vmem>>, vector<1x16xi32>,
      %add3A_722 = arith.constant 496 : i32
      %add3A_723 = vector.broadcast %add3A_722 : i32 to vector<16xi32>
      %add3A_724 = arith.addi %add3A_723, %iota3A : vector<16xi32>
      %sub3A_725 = arith.constant 383 : i32
      %sub3A_726 = vector.broadcast %sub3A_725 : i32 to vector<16xi32>
      %sub3A_727 = arith.subi %sub3A_726, %add3A_724 : vector<16xi32>
      %jit3A_728 = arith.constant 0 : i32
      %jit3A_729 = arith.constant 256 : i32
      %max3A_730 = vector.broadcast %jit3A_728 : i32 to vector<16xi32>
      %max3A_731 = arith.maxsi %max3A_730, %sub3A_727 : vector<16xi32>
      %min3A_732 = vector.broadcast %jit3A_729 : i32 to vector<16xi32>
      %min3A_733 = arith.minsi %min3A_732, %max3A_731 : vector<16xi32>
      %mul3A_734 = arith.constant 12 : i32
      %mul3A_735 = vector.broadcast %mul3A_734 : i32 to vector<16xi32>
      %mul3A_736 = arith.muli %min3A_733, %mul3A_735 : vector<16xi32>
      %add3A_737 = vector.broadcast %add3A : i32 to vector<16xi32>
      %add3A_738 = arith.addi %mul3A_736, %add3A_737 : vector<16xi32>
      %swap3A_739 = arith.constant 3 : i32
      %swap3A_740 = arith.index_cast %swap3A_739 : i32 to index
      %swap3A_741 = arith.constant 112 : index
      %swap3A_742 = tpu.vector_load %arg4[%swap3A_740, %swap3A_741] {strides = array<i32>} : memref<4x128xi32, #tpu.memory_space<vmem>>, vector<1x16xi32>,
      %swap3A_743 = vector.shape_cast %swap3A_742 : vector<1x16xi32> to vector<16xi32>
      %swap3A_744 = vector.shape_cast %add3A_738 : vector<16xi32> to vector<1x16xi32>
      tpu.vector_store %arg4[%swap3A_740, %swap3A_741], %swap3A_744 {strides = array<i32>} : memref<4x128xi32, #tpu.memory_space<vmem>>, vector<1x16xi32>,
      %dma_start3A = arith.constant 0 : i32
      %dma_start3A_745 = arith.constant 0 : i32
      %dma_start3A_746 = arith.constant 0 : i32
      %dma_start3A_747 = tpu.memref_slice %arg5[%dma_start3A_745, %dma_start3A_746] : memref<512x64xf32, #tpu.memory_space<vmem>> -> memref<128x64xf32, #tpu.memory_space<vmem>>
      %dma_start3A_748 = arith.constant 0 : i32
      %dma_start3A_749 = tpu.memref_slice %arg4[%dma_start3A, %dma_start3A_748] : memref<4x128xi32, #tpu.memory_space<vmem>> -> memref<1x128xi32, #tpu.memory_space<vmem>>
      %dma_start3A_750 = tpu.memref_squeeze %dma_start3A_749 : memref<1x128xi32, #tpu.memory_space<vmem>> -> memref<128xi32, #tpu.memory_space<vmem>>
      %dma_start3A_751 = arith.constant 0 : i32
      %dma_start3A_752 = arith.constant 0 : i32
      %dma_start3A_753 = tpu.memref_slice %arg2[%dma_start3A_751, %dma_start3A_752] : memref<3084x64xf32, #tpu.memory_space<hbm>> -> memref<3084x64xf32, #tpu.memory_space<hbm>>
      tpu.enqueue_indirect_dma source(%dma_start3A_753 : memref<3084x64xf32, #tpu.memory_space<hbm>>) target(%dma_start3A_747 : memref<128x64xf32, #tpu.memory_space<vmem>>) offsets(%dma_start3A_750 : memref<128xi32, #tpu.memory_space<vmem>>) semaphore(%arg7 : memref<!tpu.dma_semaphore, #tpu.memory_space<semaphore_mem>>)
      %dma_start3A_754 = arith.constant 1 : i32
      %dma_start3A_755 = arith.constant 128 : i32
      %dma_start3A_756 = arith.constant 0 : i32
      %dma_start3A_757 = tpu.memref_slice %arg5[%dma_start3A_755, %dma_start3A_756] : memref<512x64xf32, #tpu.memory_space<vmem>> -> memref<128x64xf32, #tpu.memory_space<vmem>>
      %dma_start3A_758 = arith.constant 0 : i32
      %dma_start3A_759 = tpu.memref_slice %arg4[%dma_start3A_754, %dma_start3A_758] : memref<4x128xi32, #tpu.memory_space<vmem>> -> memref<1x128xi32, #tpu.memory_space<vmem>>
      %dma_start3A_760 = tpu.memref_squeeze %dma_start3A_759 : memref<1x128xi32, #tpu.memory_space<vmem>> -> memref<128xi32, #tpu.memory_space<vmem>>
      %dma_start3A_761 = arith.constant 0 : i32
      %dma_start3A_762 = arith.constant 0 : i32
      %dma_start3A_763 = tpu.memref_slice %arg2[%dma_start3A_761, %dma_start3A_762] : memref<3084x64xf32, #tpu.memory_space<hbm>> -> memref<3084x64xf32, #tpu.memory_space<hbm>>
      tpu.enqueue_indirect_dma source(%dma_start3A_763 : memref<3084x64xf32, #tpu.memory_space<hbm>>) target(%dma_start3A_757 : memref<128x64xf32, #tpu.memory_space<vmem>>) offsets(%dma_start3A_760 : memref<128xi32, #tpu.memory_space<vmem>>) semaphore(%arg7 : memref<!tpu.dma_semaphore, #tpu.memory_space<semaphore_mem>>)
      %dma_start3A_764 = arith.constant 2 : i32
      %dma_start3A_765 = arith.constant 256 : i32
      %dma_start3A_766 = arith.constant 0 : i32
      %dma_start3A_767 = tpu.memref_slice %arg5[%dma_start3A_765, %dma_start3A_766] : memref<512x64xf32, #tpu.memory_space<vmem>> -> memref<128x64xf32, #tpu.memory_space<vmem>>
      %dma_start3A_768 = arith.constant 0 : i32
      %dma_start3A_769 = tpu.memref_slice %arg4[%dma_start3A_764, %dma_start3A_768] : memref<4x128xi32, #tpu.memory_space<vmem>> -> memref<1x128xi32, #tpu.memory_space<vmem>>
      %dma_start3A_770 = tpu.memref_squeeze %dma_start3A_769 : memref<1x128xi32, #tpu.memory_space<vmem>> -> memref<128xi32, #tpu.memory_space<vmem>>
      %dma_start3A_771 = arith.constant 0 : i32
      %dma_start3A_772 = arith.constant 0 : i32
      %dma_start3A_773 = tpu.memref_slice %arg2[%dma_start3A_771, %dma_start3A_772] : memref<3084x64xf32, #tpu.memory_space<hbm>> -> memref<3084x64xf32, #tpu.memory_space<hbm>>
      tpu.enqueue_indirect_dma source(%dma_start3A_773 : memref<3084x64xf32, #tpu.memory_space<hbm>>) target(%dma_start3A_767 : memref<128x64xf32, #tpu.memory_space<vmem>>) offsets(%dma_start3A_770 : memref<128xi32, #tpu.memory_space<vmem>>) semaphore(%arg7 : memref<!tpu.dma_semaphore, #tpu.memory_space<semaphore_mem>>)
      %dma_start3A_774 = arith.constant 3 : i32
      %dma_start3A_775 = arith.constant 384 : i32
      %dma_start3A_776 = arith.constant 0 : i32
      %dma_start3A_777 = tpu.memref_slice %arg5[%dma_start3A_775, %dma_start3A_776] : memref<512x64xf32, #tpu.memory_space<vmem>> -> memref<128x64xf32, #tpu.memory_space<vmem>>
      %dma_start3A_778 = arith.constant 0 : i32
      %dma_start3A_779 = tpu.memref_slice %arg4[%dma_start3A_774, %dma_start3A_778] : memref<4x128xi32, #tpu.memory_space<vmem>> -> memref<1x128xi32, #tpu.memory_space<vmem>>
      %dma_start3A_780 = tpu.memref_squeeze %dma_start3A_779 : memref<1x128xi32, #tpu.memory_space<vmem>> -> memref<128xi32, #tpu.memory_space<vmem>>
      %dma_start3A_781 = arith.constant 0 : i32
      %dma_start3A_782 = arith.constant 0 : i32
      %dma_start3A_783 = tpu.memref_slice %arg2[%dma_start3A_781, %dma_start3A_782] : memref<3084x64xf32, #tpu.memory_space<hbm>> -> memref<3084x64xf32, #tpu.memory_space<hbm>>
      tpu.enqueue_indirect_dma source(%dma_start3A_783 : memref<3084x64xf32, #tpu.memory_space<hbm>>) target(%dma_start3A_777 : memref<128x64xf32, #tpu.memory_space<vmem>>) offsets(%dma_start3A_780 : memref<128xi32, #tpu.memory_space<vmem>>) semaphore(%arg7 : memref<!tpu.dma_semaphore, #tpu.memory_space<semaphore_mem>>)
      %dma_wait3A = arith.constant 0 : i32
      %dma_wait3A_784 = arith.constant 0 : i32
      %dma_wait3A_785 = arith.constant 0 : i32
      %dma_wait3A_786 = tpu.memref_slice %arg5[%dma_wait3A_784, %dma_wait3A_785] : memref<512x64xf32, #tpu.memory_space<vmem>> -> memref<128x64xf32, #tpu.memory_space<vmem>>
      %dma_wait3A_787 = arith.constant 0 : i32
      %dma_wait3A_788 = tpu.memref_slice %arg4[%dma_wait3A, %dma_wait3A_787] : memref<4x128xi32, #tpu.memory_space<vmem>> -> memref<1x128xi32, #tpu.memory_space<vmem>>
      %dma_wait3A_789 = tpu.memref_squeeze %dma_wait3A_788 : memref<1x128xi32, #tpu.memory_space<vmem>> -> memref<128xi32, #tpu.memory_space<vmem>>
      %dma_wait3A_790 = arith.constant 0 : i32
      %dma_wait3A_791 = arith.constant 0 : i32
      %dma_wait3A_792 = tpu.memref_slice %arg2[%dma_wait3A_790, %dma_wait3A_791] : memref<3084x64xf32, #tpu.memory_space<hbm>> -> memref<3084x64xf32, #tpu.memory_space<hbm>>
      tpu.wait_indirect_dma semaphore(%arg7 : memref<!tpu.dma_semaphore, #tpu.memory_space<semaphore_mem>>) src(%dma_wait3A_792 : memref<3084x64xf32, #tpu.memory_space<hbm>>) dst(%dma_wait3A_786 : memref<128x64xf32, #tpu.memory_space<vmem>>)
      %dma_wait3A_793 = arith.constant 1 : i32
      %dma_wait3A_794 = arith.constant 128 : i32
      %dma_wait3A_795 = arith.constant 0 : i32
      %dma_wait3A_796 = tpu.memref_slice %arg5[%dma_wait3A_794, %dma_wait3A_795] : memref<512x64xf32, #tpu.memory_space<vmem>> -> memref<128x64xf32, #tpu.memory_space<vmem>>
      %dma_wait3A_797 = arith.constant 0 : i32
      %dma_wait3A_798 = tpu.memref_slice %arg4[%dma_wait3A_793, %dma_wait3A_797] : memref<4x128xi32, #tpu.memory_space<vmem>> -> memref<1x128xi32, #tpu.memory_space<vmem>>
      %dma_wait3A_799 = tpu.memref_squeeze %dma_wait3A_798 : memref<1x128xi32, #tpu.memory_space<vmem>> -> memref<128xi32, #tpu.memory_space<vmem>>
      %dma_wait3A_800 = arith.constant 0 : i32
      %dma_wait3A_801 = arith.constant 0 : i32
      %dma_wait3A_802 = tpu.memref_slice %arg2[%dma_wait3A_800, %dma_wait3A_801] : memref<3084x64xf32, #tpu.memory_space<hbm>> -> memref<3084x64xf32, #tpu.memory_space<hbm>>
      tpu.wait_indirect_dma semaphore(%arg7 : memref<!tpu.dma_semaphore, #tpu.memory_space<semaphore_mem>>) src(%dma_wait3A_802 : memref<3084x64xf32, #tpu.memory_space<hbm>>) dst(%dma_wait3A_796 : memref<128x64xf32, #tpu.memory_space<vmem>>)
      %dma_wait3A_803 = arith.constant 2 : i32
      %dma_wait3A_804 = arith.constant 256 : i32
      %dma_wait3A_805 = arith.constant 0 : i32
      %dma_wait3A_806 = tpu.memref_slice %arg5[%dma_wait3A_804, %dma_wait3A_805] : memref<512x64xf32, #tpu.memory_space<vmem>> -> memref<128x64xf32, #tpu.memory_space<vmem>>
      %dma_wait3A_807 = arith.constant 0 : i32
      %dma_wait3A_808 = tpu.memref_slice %arg4[%dma_wait3A_803, %dma_wait3A_807] : memref<4x128xi32, #tpu.memory_space<vmem>> -> memref<1x128xi32, #tpu.memory_space<vmem>>
      %dma_wait3A_809 = tpu.memref_squeeze %dma_wait3A_808 : memref<1x128xi32, #tpu.memory_space<vmem>> -> memref<128xi32, #tpu.memory_space<vmem>>
      %dma_wait3A_810 = arith.constant 0 : i32
      %dma_wait3A_811 = arith.constant 0 : i32
      %dma_wait3A_812 = tpu.memref_slice %arg2[%dma_wait3A_810, %dma_wait3A_811] : memref<3084x64xf32, #tpu.memory_space<hbm>> -> memref<3084x64xf32, #tpu.memory_space<hbm>>
      tpu.wait_indirect_dma semaphore(%arg7 : memref<!tpu.dma_semaphore, #tpu.memory_space<semaphore_mem>>) src(%dma_wait3A_812 : memref<3084x64xf32, #tpu.memory_space<hbm>>) dst(%dma_wait3A_806 : memref<128x64xf32, #tpu.memory_space<vmem>>)
      %dma_wait3A_813 = arith.constant 3 : i32
      %dma_wait3A_814 = arith.constant 384 : i32
      %dma_wait3A_815 = arith.constant 0 : i32
      %dma_wait3A_816 = tpu.memref_slice %arg5[%dma_wait3A_814, %dma_wait3A_815] : memref<512x64xf32, #tpu.memory_space<vmem>> -> memref<128x64xf32, #tpu.memory_space<vmem>>
      %dma_wait3A_817 = arith.constant 0 : i32
      %dma_wait3A_818 = tpu.memref_slice %arg4[%dma_wait3A_813, %dma_wait3A_817] : memref<4x128xi32, #tpu.memory_space<vmem>> -> memref<1x128xi32, #tpu.memory_space<vmem>>
      %dma_wait3A_819 = tpu.memref_squeeze %dma_wait3A_818 : memref<1x128xi32, #tpu.memory_space<vmem>> -> memref<128xi32, #tpu.memory_space<vmem>>
      %dma_wait3A_820 = arith.constant 0 : i32
      %dma_wait3A_821 = arith.constant 0 : i32
      %dma_wait3A_822 = tpu.memref_slice %arg2[%dma_wait3A_820, %dma_wait3A_821] : memref<3084x64xf32, #tpu.memory_space<hbm>> -> memref<3084x64xf32, #tpu.memory_space<hbm>>
      tpu.wait_indirect_dma semaphore(%arg7 : memref<!tpu.dma_semaphore, #tpu.memory_space<semaphore_mem>>) src(%dma_wait3A_822 : memref<3084x64xf32, #tpu.memory_space<hbm>>) dst(%dma_wait3A_816 : memref<128x64xf32, #tpu.memory_space<vmem>>)
      %dma_start3A_823 = arith.constant 0 : i32
      %dma_start3A_824 = arith.constant 0 : i32
      %dma_start3A_825 = tpu.memref_slice %arg6[%arg1, %dma_start3A_823, %dma_start3A_824] : memref<6x512x64xf32, #tpu.memory_space<vmem_shared>> -> memref<1x512x64xf32, #tpu.memory_space<vmem_shared>>
      %dma_start3A_826 = tpu.memref_squeeze %dma_start3A_825 : memref<1x512x64xf32, #tpu.memory_space<vmem_shared>> -> memref<512x64xf32, #tpu.memory_space<vmem_shared>>
      %dma_start3A_827 = arith.constant 0 : i32
      %dma_start3A_828 = arith.constant 0 : i32
      %dma_start3A_829 = tpu.memref_slice %arg6[%arg1, %dma_start3A_827, %dma_start3A_828] : memref<6x512x64xf32, #tpu.memory_space<vmem_shared>> -> memref<1x512x64xf32, #tpu.memory_space<vmem_shared>>
      %dma_start3A_830 = tpu.memref_squeeze %dma_start3A_829 : memref<1x512x64xf32, #tpu.memory_space<vmem_shared>> -> memref<512x64xf32, #tpu.memory_space<vmem_shared>>
      tpu.enqueue_dma source(%arg5 : memref<512x64xf32, #tpu.memory_space<vmem>>) target(%dma_start3A_830 : memref<512x64xf32, #tpu.memory_space<vmem_shared>>) target_semaphore(%arg8 : memref<!tpu.dma_semaphore, #tpu.memory_space<semaphore_mem>>)
      %dma_wait3A_831 = arith.constant 0 : i32
      %dma_wait3A_832 = arith.constant 0 : i32
      %dma_wait3A_833 = tpu.memref_slice %arg6[%arg1, %dma_wait3A_831, %dma_wait3A_832] : memref<6x512x64xf32, #tpu.memory_space<vmem_shared>> -> memref<1x512x64xf32, #tpu.memory_space<vmem_shared>>
      %dma_wait3A_834 = tpu.memref_squeeze %dma_wait3A_833 : memref<1x512x64xf32, #tpu.memory_space<vmem_shared>> -> memref<512x64xf32, #tpu.memory_space<vmem_shared>>
      %dma_wait3A_835 = arith.constant 0 : i32
      %dma_wait3A_836 = arith.constant 0 : i32
      %dma_wait3A_837 = tpu.memref_slice %arg6[%arg1, %dma_wait3A_835, %dma_wait3A_836] : memref<6x512x64xf32, #tpu.memory_space<vmem_shared>> -> memref<1x512x64xf32, #tpu.memory_space<vmem_shared>>
      %dma_wait3A_838 = tpu.memref_squeeze %dma_wait3A_837 : memref<1x512x64xf32, #tpu.memory_space<vmem_shared>> -> memref<512x64xf32, #tpu.memory_space<vmem_shared>>
      tpu.wait_dma2 semaphore(%arg8 : memref<!tpu.dma_semaphore, #tpu.memory_space<semaphore_mem>>) src(%arg5 : memref<512x64xf32, #tpu.memory_space<vmem>>) dst(%dma_wait3A_838 : memref<512x64xf32, #tpu.memory_space<vmem_shared>>)
    } else {
    }
    %barrier3A = arith.constant 0 : index
    tpu.barrier barrier_id(%barrier3A)
    %scan3A = arith.constant 0 : i32
    %scan3A_2 = arith.constant 0 : i32
    %scan3A_3 = arith.constant 16 : i32
    %scan3A_4 = arith.addi %scan3A_2, %scan3A_3 : i32
    %scan3A_5 = arith.constant 1 : i32
    scf.for %scan3A_13 = %scan3A_2 to %scan3A_4 step %scan3A_5  : i32 {
      %mul3A = arith.constant 16 : i32
      %mul3A_14 = arith.muli %arg1, %mul3A : i32
      %add3A = arith.addi %mul3A_14, %scan3A_13 : i32
      %sub3A = arith.constant 255 : i32
      %sub3A_15 = arith.subi %sub3A, %add3A : i32
      %mul3A_16 = arith.constant 6 : i32
      %mul3A_17 = arith.muli %arg0, %mul3A_16 : i32
      %add3A_18 = arith.constant 0 : i32
      %add3A_19 = arith.addi %mul3A_17, %add3A_18 : i32
      %dma_start3A = arith.constant 0 : i32
      %dma_start3A_20 = arith.constant 0 : i32
      %dma_start3A_21 = arith.constant 0 : i32
      %dma_start3A_22 = arith.constant 0 : i32
      %dma_start3A_23 = tpu.memref_slice %arg3[%dma_start3A_20, %add3A_19, %add3A, %dma_start3A_21, %dma_start3A_22] : memref<1x12x256x256x64xf32, #tpu.memory_space<hbm>> -> memref<1x1x1x256x64xf32, #tpu.memory_space<hbm>>
      %dma_start3A_24 = tpu.memref_squeeze %dma_start3A_23 : memref<1x1x1x256x64xf32, #tpu.memory_space<hbm>> -> memref<256x64xf32, #tpu.memory_space<hbm>>
      %dma_start3A_25 = arith.constant 0 : i32
      %dma_start3A_26 = tpu.memref_slice %arg6[%dma_start3A, %sub3A_15, %dma_start3A_25] : memref<6x512x64xf32, #tpu.memory_space<vmem_shared>> -> memref<1x256x64xf32, #tpu.memory_space<vmem_shared>>
      %dma_start3A_27 = tpu.memref_squeeze %dma_start3A_26 : memref<1x256x64xf32, #tpu.memory_space<vmem_shared>> -> memref<256x64xf32, #tpu.memory_space<vmem_shared>>
      tpu.enqueue_dma source(%dma_start3A_27 : memref<256x64xf32, #tpu.memory_space<vmem_shared>>) target(%dma_start3A_24 : memref<256x64xf32, #tpu.memory_space<hbm>>) target_semaphore(%arg9 : memref<!tpu.dma_semaphore, #tpu.memory_space<semaphore_mem>>)
      %sub3A_28 = arith.constant 255 : i32
      %sub3A_29 = arith.subi %sub3A_28, %add3A : i32
      %mul3A_30 = arith.constant 6 : i32
      %mul3A_31 = arith.muli %arg0, %mul3A_30 : i32
      %add3A_32 = arith.constant 1 : i32
      %add3A_33 = arith.addi %mul3A_31, %add3A_32 : i32
      %dma_start3A_34 = arith.constant 1 : i32
      %dma_start3A_35 = arith.constant 0 : i32
      %dma_start3A_36 = arith.constant 0 : i32
      %dma_start3A_37 = arith.constant 0 : i32
      %dma_start3A_38 = tpu.memref_slice %arg3[%dma_start3A_35, %add3A_33, %add3A, %dma_start3A_36, %dma_start3A_37] : memref<1x12x256x256x64xf32, #tpu.memory_space<hbm>> -> memref<1x1x1x256x64xf32, #tpu.memory_space<hbm>>
      %dma_start3A_39 = tpu.memref_squeeze %dma_start3A_38 : memref<1x1x1x256x64xf32, #tpu.memory_space<hbm>> -> memref<256x64xf32, #tpu.memory_space<hbm>>
      %dma_start3A_40 = arith.constant 0 : i32
      %dma_start3A_41 = tpu.memref_slice %arg6[%dma_start3A_34, %sub3A_29, %dma_start3A_40] : memref<6x512x64xf32, #tpu.memory_space<vmem_shared>> -> memref<1x256x64xf32, #tpu.memory_space<vmem_shared>>
      %dma_start3A_42 = tpu.memref_squeeze %dma_start3A_41 : memref<1x256x64xf32, #tpu.memory_space<vmem_shared>> -> memref<256x64xf32, #tpu.memory_space<vmem_shared>>
      tpu.enqueue_dma source(%dma_start3A_42 : memref<256x64xf32, #tpu.memory_space<vmem_shared>>) target(%dma_start3A_39 : memref<256x64xf32, #tpu.memory_space<hbm>>) target_semaphore(%arg9 : memref<!tpu.dma_semaphore, #tpu.memory_space<semaphore_mem>>)
      %sub3A_43 = arith.constant 255 : i32
      %sub3A_44 = arith.subi %sub3A_43, %add3A : i32
      %mul3A_45 = arith.constant 6 : i32
      %mul3A_46 = arith.muli %arg0, %mul3A_45 : i32
      %add3A_47 = arith.constant 2 : i32
      %add3A_48 = arith.addi %mul3A_46, %add3A_47 : i32
      %dma_start3A_49 = arith.constant 2 : i32
      %dma_start3A_50 = arith.constant 0 : i32
      %dma_start3A_51 = arith.constant 0 : i32
      %dma_start3A_52 = arith.constant 0 : i32
      %dma_start3A_53 = tpu.memref_slice %arg3[%dma_start3A_50, %add3A_48, %add3A, %dma_start3A_51, %dma_start3A_52] : memref<1x12x256x256x64xf32, #tpu.memory_space<hbm>> -> memref<1x1x1x256x64xf32, #tpu.memory_space<hbm>>
      %dma_start3A_54 = tpu.memref_squeeze %dma_start3A_53 : memref<1x1x1x256x64xf32, #tpu.memory_space<hbm>> -> memref<256x64xf32, #tpu.memory_space<hbm>>
      %dma_start3A_55 = arith.constant 0 : i32
      %dma_start3A_56 = tpu.memref_slice %arg6[%dma_start3A_49, %sub3A_44, %dma_start3A_55] : memref<6x512x64xf32, #tpu.memory_space<vmem_shared>> -> memref<1x256x64xf32, #tpu.memory_space<vmem_shared>>
      %dma_start3A_57 = tpu.memref_squeeze %dma_start3A_56 : memref<1x256x64xf32, #tpu.memory_space<vmem_shared>> -> memref<256x64xf32, #tpu.memory_space<vmem_shared>>
      tpu.enqueue_dma source(%dma_start3A_57 : memref<256x64xf32, #tpu.memory_space<vmem_shared>>) target(%dma_start3A_54 : memref<256x64xf32, #tpu.memory_space<hbm>>) target_semaphore(%arg9 : memref<!tpu.dma_semaphore, #tpu.memory_space<semaphore_mem>>)
      %sub3A_58 = arith.constant 255 : i32
      %sub3A_59 = arith.subi %sub3A_58, %add3A : i32
      %mul3A_60 = arith.constant 6 : i32
      %mul3A_61 = arith.muli %arg0, %mul3A_60 : i32
      %add3A_62 = arith.constant 3 : i32
      %add3A_63 = arith.addi %mul3A_61, %add3A_62 : i32
      %dma_start3A_64 = arith.constant 3 : i32
      %dma_start3A_65 = arith.constant 0 : i32
      %dma_start3A_66 = arith.constant 0 : i32
      %dma_start3A_67 = arith.constant 0 : i32
      %dma_start3A_68 = tpu.memref_slice %arg3[%dma_start3A_65, %add3A_63, %add3A, %dma_start3A_66, %dma_start3A_67] : memref<1x12x256x256x64xf32, #tpu.memory_space<hbm>> -> memref<1x1x1x256x64xf32, #tpu.memory_space<hbm>>
      %dma_start3A_69 = tpu.memref_squeeze %dma_start3A_68 : memref<1x1x1x256x64xf32, #tpu.memory_space<hbm>> -> memref<256x64xf32, #tpu.memory_space<hbm>>
      %dma_start3A_70 = arith.constant 0 : i32
      %dma_start3A_71 = tpu.memref_slice %arg6[%dma_start3A_64, %sub3A_59, %dma_start3A_70] : memref<6x512x64xf32, #tpu.memory_space<vmem_shared>> -> memref<1x256x64xf32, #tpu.memory_space<vmem_shared>>
      %dma_start3A_72 = tpu.memref_squeeze %dma_start3A_71 : memref<1x256x64xf32, #tpu.memory_space<vmem_shared>> -> memref<256x64xf32, #tpu.memory_space<vmem_shared>>
      tpu.enqueue_dma source(%dma_start3A_72 : memref<256x64xf32, #tpu.memory_space<vmem_shared>>) target(%dma_start3A_69 : memref<256x64xf32, #tpu.memory_space<hbm>>) target_semaphore(%arg9 : memref<!tpu.dma_semaphore, #tpu.memory_space<semaphore_mem>>)
      %sub3A_73 = arith.constant 255 : i32
      %sub3A_74 = arith.subi %sub3A_73, %add3A : i32
      %mul3A_75 = arith.constant 6 : i32
      %mul3A_76 = arith.muli %arg0, %mul3A_75 : i32
      %add3A_77 = arith.constant 4 : i32
      %add3A_78 = arith.addi %mul3A_76, %add3A_77 : i32
      %dma_start3A_79 = arith.constant 4 : i32
      %dma_start3A_80 = arith.constant 0 : i32
      %dma_start3A_81 = arith.constant 0 : i32
      %dma_start3A_82 = arith.constant 0 : i32
      %dma_start3A_83 = tpu.memref_slice %arg3[%dma_start3A_80, %add3A_78, %add3A, %dma_start3A_81, %dma_start3A_82] : memref<1x12x256x256x64xf32, #tpu.memory_space<hbm>> -> memref<1x1x1x256x64xf32, #tpu.memory_space<hbm>>
      %dma_start3A_84 = tpu.memref_squeeze %dma_start3A_83 : memref<1x1x1x256x64xf32, #tpu.memory_space<hbm>> -> memref<256x64xf32, #tpu.memory_space<hbm>>
      %dma_start3A_85 = arith.constant 0 : i32
      %dma_start3A_86 = tpu.memref_slice %arg6[%dma_start3A_79, %sub3A_74, %dma_start3A_85] : memref<6x512x64xf32, #tpu.memory_space<vmem_shared>> -> memref<1x256x64xf32, #tpu.memory_space<vmem_shared>>
      %dma_start3A_87 = tpu.memref_squeeze %dma_start3A_86 : memref<1x256x64xf32, #tpu.memory_space<vmem_shared>> -> memref<256x64xf32, #tpu.memory_space<vmem_shared>>
      tpu.enqueue_dma source(%dma_start3A_87 : memref<256x64xf32, #tpu.memory_space<vmem_shared>>) target(%dma_start3A_84 : memref<256x64xf32, #tpu.memory_space<hbm>>) target_semaphore(%arg9 : memref<!tpu.dma_semaphore, #tpu.memory_space<semaphore_mem>>)
      %sub3A_88 = arith.constant 255 : i32
      %sub3A_89 = arith.subi %sub3A_88, %add3A : i32
      %mul3A_90 = arith.constant 6 : i32
      %mul3A_91 = arith.muli %arg0, %mul3A_90 : i32
      %add3A_92 = arith.constant 5 : i32
      %add3A_93 = arith.addi %mul3A_91, %add3A_92 : i32
      %dma_start3A_94 = arith.constant 5 : i32
      %dma_start3A_95 = arith.constant 0 : i32
      %dma_start3A_96 = arith.constant 0 : i32
      %dma_start3A_97 = arith.constant 0 : i32
      %dma_start3A_98 = tpu.memref_slice %arg3[%dma_start3A_95, %add3A_93, %add3A, %dma_start3A_96, %dma_start3A_97] : memref<1x12x256x256x64xf32, #tpu.memory_space<hbm>> -> memref<1x1x1x256x64xf32, #tpu.memory_space<hbm>>
      %dma_start3A_99 = tpu.memref_squeeze %dma_start3A_98 : memref<1x1x1x256x64xf32, #tpu.memory_space<hbm>> -> memref<256x64xf32, #tpu.memory_space<hbm>>
      %dma_start3A_100 = arith.constant 0 : i32
      %dma_start3A_101 = tpu.memref_slice %arg6[%dma_start3A_94, %sub3A_89, %dma_start3A_100] : memref<6x512x64xf32, #tpu.memory_space<vmem_shared>> -> memref<1x256x64xf32, #tpu.memory_space<vmem_shared>>
      %dma_start3A_102 = tpu.memref_squeeze %dma_start3A_101 : memref<1x256x64xf32, #tpu.memory_space<vmem_shared>> -> memref<256x64xf32, #tpu.memory_space<vmem_shared>>
      tpu.enqueue_dma source(%dma_start3A_102 : memref<256x64xf32, #tpu.memory_space<vmem_shared>>) target(%dma_start3A_99 : memref<256x64xf32, #tpu.memory_space<hbm>>) target_semaphore(%arg9 : memref<!tpu.dma_semaphore, #tpu.memory_space<semaphore_mem>>)
    }
    %scan3A_6 = arith.constant 16 : i32
    %scan3A_7 = arith.constant 0 : i32
    %scan3A_8 = arith.constant 0 : i32
    %scan3A_9 = arith.constant 96 : i32
    %scan3A_10 = arith.addi %scan3A_8, %scan3A_9 : i32
    %scan3A_11 = arith.constant 1 : i32
    scf.for %scan3A_13 = %scan3A_8 to %scan3A_10 step %scan3A_11  : i32 {
      %mul3A = arith.constant 6 : i32
      %mul3A_14 = arith.muli %arg0, %mul3A : i32
      %mul3A_15 = arith.constant 16 : i32
      %mul3A_16 = arith.muli %arg1, %mul3A_15 : i32
      %dma_wait3A = arith.constant 0 : i32
      %dma_wait3A_17 = arith.constant 0 : i32
      %dma_wait3A_18 = arith.constant 0 : i32
      %dma_wait3A_19 = arith.constant 0 : i32
      %dma_wait3A_20 = tpu.memref_slice %arg3[%dma_wait3A_17, %mul3A_14, %mul3A_16, %dma_wait3A_18, %dma_wait3A_19] : memref<1x12x256x256x64xf32, #tpu.memory_space<hbm>> -> memref<1x1x1x256x64xf32, #tpu.memory_space<hbm>>
      %dma_wait3A_21 = tpu.memref_squeeze %dma_wait3A_20 : memref<1x1x1x256x64xf32, #tpu.memory_space<hbm>> -> memref<256x64xf32, #tpu.memory_space<hbm>>
      %dma_wait3A_22 = arith.constant 0 : i32
      %dma_wait3A_23 = arith.constant 0 : i32
      %dma_wait3A_24 = tpu.memref_slice %arg6[%dma_wait3A, %dma_wait3A_22, %dma_wait3A_23] : memref<6x512x64xf32, #tpu.memory_space<vmem_shared>> -> memref<1x256x64xf32, #tpu.memory_space<vmem_shared>>
      %dma_wait3A_25 = tpu.memref_squeeze %dma_wait3A_24 : memref<1x256x64xf32, #tpu.memory_space<vmem_shared>> -> memref<256x64xf32, #tpu.memory_space<vmem_shared>>
      tpu.wait_dma2 semaphore(%arg9 : memref<!tpu.dma_semaphore, #tpu.memory_space<semaphore_mem>>) src(%dma_wait3A_25 : memref<256x64xf32, #tpu.memory_space<vmem_shared>>) dst(%dma_wait3A_21 : memref<256x64xf32, #tpu.memory_space<hbm>>)
    }
    %scan3A_12 = arith.constant 96 : i32
    return
  }
}

</mosaic_0001>

<sc_bundles>
// kernel: kernel.3.cloned.1.call-start
scs
__scs_entry_jumppad:
0x0: {  	(pc) =	sbr.rel $0x88, $3  }
0x1: {  	(tag) =	ssettag $0x0;
	lr =	simm.s32 $0x1  }
0x2: {  	[smem:$0x3FA0] =	sst lr;
	_ =	strace $0xD0000000  }
0x3: {  	_ = 	snop  }
0x4: {  	_ = 	snop  }
0x5: {  	_ = 	snop  }
0x6: {  	_ = 	snop  }
0x7: {  	_ = 	snop  }
__scs_overlays_trampoline_lowered:
0x8: {  	[smem:$0x3FAF] =	sst s0  }
0x9: {  	[smem:$0x3FB0] =	sst s1  }
0xa: {  	[smem:$0x3FB1] =	sst s2  }
0xb: {  	[smem:$0x3FB2] =	sst s3  }
0xc: {  	[smem:$0x3FB3] =	sst s4  }
0xd: {  	[smem:$0x3FB4] =	sst s5  }
0xe: {  	[smem:$0x3FB5] =	sst s6  }
0xf: {  	[smem:$0x3FB6] =	sst s7  }
0x10: {  	[smem:$0x3FB7] =	sst s8  }
0x11: {  	[smem:$0x3FB8] =	sst s9;
	s0 =	simm.s32 @!p0 $0x0  }
0x12: {  	s1 =	sld [smem:$0x3F9E];
	s0 =	simm.s32 @p0 $0x1  }
0x13: {  	[smem:$0x3FB9] =	sst s0;
	s0 =	simm.s32 @!p1 $0x0  }
0x14: {  	s2 =	sld [smem:$0x3F9D];
	s0 =	simm.s32 @p1 $0x1  }
0x15: {  	[smem:$0x3FBA] =	sst s0;
	s0 =	simm.s32 @!p2 $0x0  }
0x16: {  	s3 =	sld [smem:$0x3FDB];
	s0 =	simm.s32 @p2 $0x1  }
0x17: {  	s4 =	simm.s32 $0x1BF5;
	[smem:$0x3FBC] =	sst s0  }
0x18: {  	s0 =	sld [smem:$0x3F9F];
	_ =	swait.ge [sflag:s4], $0x0  }
0x19: {  	s7 =	sld [smem:$0x3FA0]  }
0x1a: {  	s8 =	sadd.s32 $0xFFFFE003, lr  }
0x1b: {  	s9 =	sadd.s32 $0xFFFFFEF7, lr;
	s5 =	simm.s32 $0xFFFFFFFF;
	p2 =	slt.u32 s8, $0xFFFFF086  }
0x1c: {  	p1 =	slt.u32 s9, $0xF7A;
	s5 =	simm.s32 @!p2 $0x0  }
0x1d: {  	s5 =	simm.s32 @p1 $0x1;
	p0 =	seq.s32 s7, s2  }
0x1e: {  	s7 =	smul.u32 @!p0 $0xF7A, s2;
	p2 =	seq.s32 @!p0 s5, $0x0  }
0x1f: {  	s9 =	smul.u32 $0xF7A, s1;
	s8 =	simm.s32 @!p0 $0x1BF5;
	p2 =	por !p2, p0  }
0x20: {  	[sflag:s8] =	ssyncset.s32 @!p0 $0xFFFFF086;
	s6 =	sadd.s32 @!p0 s3, s7;
	s7 =	simm.s32 @!p0 $0x108  }
0x21: {  	s3 =	sadd.s32 s3, s9;
	s6 =	sadd.s32 @!p0 $0x88, s6;
	s7 =	simm.s32 @p2 $0x1082  }
0x22: {  	[simem:s7], [sflag:s8] =	dma.local @!p0 [hbm:s6], $0xF7A  }
0x23: {  	s9 =	sor.u32 $0xD0000000, s2;
	s6 =	simm.s32 $0x108;
	_ =	swait.ge @!p0 [sflag:s8], $0x0  }
0x24: {  	s3 =	sadd.s32 $0x88, s3;
	s6 =	simm.s32 @!p1 $0x1082;
	[sflag:s4] =	ssyncset.s32 $0xFFFFF086  }
0x25: {  	[simem:s6], [sflag:s4] =	dma.local [hbm:s3], $0xF7A  }
0x26: {  	[smem:$0x3FA0] =	sst s1;
	(tag) =	ssettag s2;
	_ =	strace s9  }
0x27: {  	s1 =	sld [smem:$0x3FB0]  }
0x28: {  	s2 =	sld [smem:$0x3FB1]  }
0x29: {  	s4 =	sld [smem:$0x3FB3]  }
0x2a: {  	p0 =	seq.s32 s5, $0x0;
	s5 =	sld [smem:$0x3FB4]  }
0x2b: {  	s6 =	sld [smem:$0x3FB5]  }
0x2c: {  	s7 =	sld [smem:$0x3FB6]  }
0x2d: {  	s3 =	simm.s32 $0x108;
	s8 =	sld [smem:$0x3FB7]  }
0x2e: {  	s3 =	simm.s32 @!p0 $0x1082;
	s9 =	sld [smem:$0x3FB8]  }
0x2f: {  	lr =	sadd.s32 s0, s3;
	s0 =	sld [smem:$0x3FAF]  }
0x30: {  	s3 =	sld [smem:$0x3FB2]  }
0x31: {  	[smem:$0x3FBB] =	sst s10  }
0x32: {  	s10 =	sld [smem:$0x3FB9];
	_ =	sdelay $0x3  }
0x33: {  	p0 =	seq.s32 s10, $0x1;
	s10 =	sld [smem:$0x3FBB];
	_ =	sdelay $0x3  }
0x34: {  	[smem:$0x3FBB] =	sst s10  }
0x35: {  	s10 =	sld [smem:$0x3FBA];
	_ =	sdelay $0x3  }
0x36: {  	p1 =	seq.s32 s10, $0x1;
	s10 =	sld [smem:$0x3FBB];
	_ =	sdelay $0x3  }
0x37: {  	[smem:$0x3FBB] =	sst s10  }
0x38: {  	s10 =	sld [smem:$0x3FBC]  }
0x39: {  	_ = 	snop;
	(pc) =	sbr.ind lr, $3  }
0x3a: {  	_ = 	snop  }
0x3b: {  	_ = 	snop  }
0x3c: {  	p2 =	seq.s32 s10, $0x1;
	s10 =	sld [smem:$0x3FBB]  }
0x3d: {  	_ =	shalt  }
0x3e: {  	_ =	shalt  }
0x3f: {  	_ =	shalt  }
0x40: {  	_ =	shalt  }
0x41: {  	_ =	shalt  }
0x42: {  	_ =	shalt  }
0x43: {  	_ =	shalt  }
0x44: {  	_ =	shalt  }
0x45: {  	_ =	shalt  }
0x46: {  	_ =	shalt  }
0x47: {  	_ =	shalt  }
0x48: {  	_ =	shalt  }
0x49: {  	_ =	shalt  }
0x4a: {  	_ =	shalt  }
0x4b: {  	_ =	shalt  }
0x4c: {  	_ =	shalt  }
0x4d: {  	_ =	shalt  }
0x4e: {  	_ =	shalt  }
0x4f: {  	_ =	shalt  }
0x50: {  	_ =	shalt  }
0x51: {  	_ =	shalt  }
0x52: {  	_ =	shalt  }
0x53: {  	_ =	shalt  }
0x54: {  	_ =	shalt  }
0x55: {  	_ =	shalt  }
0x56: {  	_ =	shalt  }
0x57: {  	_ =	shalt  }
0x58: {  	_ =	shalt  }
0x59: {  	_ =	shalt  }
0x5a: {  	_ =	shalt  }
0x5b: {  	_ =	shalt  }
0x5c: {  	_ =	shalt  }
0x5d: {  	_ =	shalt  }
0x5e: {  	_ =	shalt  }
0x5f: {  	_ =	shalt  }
0x60: {  	_ =	shalt  }
0x61: {  	_ =	shalt  }
0x62: {  	_ =	shalt  }
0x63: {  	_ =	shalt  }
0x64: {  	_ =	shalt  }
0x65: {  	_ =	shalt  }
0x66: {  	_ =	shalt  }
0x67: {  	_ =	shalt  }
0x68: {  	_ =	shalt  }
0x69: {  	_ =	shalt  }
0x6a: {  	_ =	shalt  }
0x6b: {  	_ =	shalt  }
0x6c: {  	_ =	shalt  }
0x6d: {  	_ =	shalt  }
0x6e: {  	_ =	shalt  }
0x6f: {  	_ =	shalt  }
0x70: {  	_ =	shalt  }
0x71: {  	_ =	shalt  }
0x72: {  	_ =	shalt  }
0x73: {  	_ =	shalt  }
0x74: {  	_ =	shalt  }
0x75: {  	_ =	shalt  }
0x76: {  	_ =	shalt  }
0x77: {  	_ =	shalt  }
0x78: {  	_ =	shalt  }
0x79: {  	_ =	shalt  }
0x7a: {  	_ =	shalt  }
0x7b: {  	_ =	shalt  }
0x7c: {  	_ =	shalt  }
0x7d: {  	_ =	shalt  }
0x7e: {  	_ =	shalt  }
0x7f: {  	_ =	shalt  }
0x80: {  	_ =	shalt  }
0x81: {  	_ =	shalt  }
0x82: {  	_ =	shalt  }
0x83: {  	_ =	shalt  }
0x84: {  	_ =	shalt  }
0x85: {  	_ =	shalt  }
0x86: {  	_ =	shalt  }
0x87: {  	_ =	shalt  }
.Lfunc_end0:
.L_simem_size_0:
called_computation.1_lowered:
.L_overlay_start_0:
0x88: {  	s2 =	sld [smem:$0x3FD9]  }
0x89: {  	s3 =	sld [smem:$0x3FFE];
	_ =	sdelay $0x1  }
0x8a: {  	s1 =	srdreg.scid  }
0x8b: {  	s0 =	sand.u32 $0x1, s1  }
0x8c: {  	s17 =	sshll.u32 s0, $0xA;
	s2 =	sadd.s32 s3, s2  }
0x8d: {  	s2 =	sadd.s32 s2, s17  }
0x8e: {  	[smem:$0x3FC7] =	sst s2  }
0x8f: {  	_ = 	snop  }
0x90: {  	s2 =	sld [smem:$0x3FD0];
	(tm) =	ssettm $0x1  }
0x91: {  	s18 =	sld [smem:$0x3FFB];
	_ =	sdelay $0x3  }
0x92: {  	_ =	strace s18  }
0x93: {  	s3 =	sld [smem:$0x3FFC];
	_ =	sdelay $0x3  }
0x94: {  	_ =	strace s3  }
0x95: {  	s3 =	sld [smem:$0x3FFD];
	_ =	sdelay $0x3  }
0x96: {  	_ =	strace s3  }
0x97: {  	_ =	strace $0x8FFFFFFF  }
0x98: {  	s19 =	sld [smem:$0x3FDB];
	_ =	sdelay $0x1  }
0x99: {  	s4 =	simm.s32 $_scs_section_size  }
0x9a: {  	s5 =	simm.s32 $_size__tile_overlayer_lowered;
	s6 =	simm.s32 $_tile_overlayer_lowered  }
0x9b: {  	s22 =	simm.s32 $0x1BFF;
	s21 =	sshll.u32 s6, $0x1;
	s3 =	sadd.s32 s4, s19  }
0x9c: {  	s7 =	simm.s32 $0x0;
	s20 =	sshll.u32 s5, $0x1;
	s5 =	sadd.s32 s21, s3  }
0x9d: {  	[timem:s7], [sflag:s22] =	dma.local [hbm:s5], s20  }
0x9e: {  	_ =	swait.ge [sflag:s22], s20  }
0x9f: {  	s4 =	ssub.s32 $0x0, s20;
	[sflag:s22] =	ssyncset.done $0x0  }
0xa0: {  	[sflag:s22] =	ssyncadd.s32 s4;
	_ =	sdelay $0x1  }
0xa1: {  	s23 =	simm.s32 $0x1B8B  }
0xa2: {  	_ =	swait.ge [sflag:s23], $0x1  }
0xa3: {  	[sflag:s23] =	ssyncset.done $0x0  }
0xa4: {  	s25 =	simm.s32 $0x1B8E;
	s24 =	sld [smem:$0x3FFE];
	[sflag:s23] =	ssyncadd.s32 $0xFFFFFFFF  }
0xa5: {  	s26 =	simm.s32 $execute0_lowered;
	[smem:$0x3FD2] =	sst s25  }
0xa6: {  	s5 =	sshll.u32 s26, $0x1;
	_ =	strace $0x80000046;
	[dreg:$0x1] =	wrdreg $0xFFFFFFFF  }
0xa7: {  	s28 =	simm.s32 $_size_execute0_lowered;
	s3 =	sadd.s32 s3, s5;
	[dreg:$0x0] =	wrdreg $0x0  }
0xa8: {  	s5 =	sshll.u32 s28, $0x1;
	[dreg:$0x2] =	wrdreg s3  }
0xa9: {  	[dreg:$0x3] =	wrdreg s5  }
0xaa: {  	[dreg:$0x4] =	wrdreg $0xC0  }
0xab: {  	_ =	task [dreg:s7], $0x5FFFF  }
0xac: {  	[dreg:$0x1] =	wrdreg $0xFFFFFFFF  }
0xad: {  	[dreg:$0x0] =	wrdreg $0x60  }
0xae: {  	[dreg:$0x2] =	wrdreg s24  }
0xaf: {  	[dreg:$0x3] =	wrdreg s2  }
0xb0: {  	[dreg:$0x4] =	wrdreg $0x82000  }
0xb1: {  	[dreg:$0x5] =	wrdreg $0x9  }
0xb2: {  	_ =	task.clear_ibuf [dreg:s7], $0x6FFFF;
	_ =	strace $0x90000046  }
0xb3: {  	s29 =	simm.s32 $0x9;
	_ =	strace $0x80000048  }
0xb4: {  	_ =	swait.ge [sflag:s29], $0x1  }
0xb5: {  	[sflag:s29] =	ssyncadd.s32 $0xFFFFFFFF  }
0xb6: {  	_ =	strace $0x90000048  }
0xb7: {  	_ =	sfence  }
0xb8: {  	s30 =	sld [smem:$0x0];
	_ =	sdelay $0x2  }
0xb9: {  	s31 =	sshll.u32 s1, $0xD;
	s1 =	sshrl.u32 s1, $0x2  }
0xba: {  	s3 =	sand.u32 $0x4000, s31;
	s1 =	sadd.s32 s1, s30  }
0xbb: {  	s0 =	sor.u32 s3, s0;
	s1 =	sshll.u32 s1, $0x11  }
0xbc: {  	s0 =	sor.u32 s1, s0  }
0xbd: {  	s0 =	sadd.s32 $0x8F2B, s0  }
0xbe: {  	[sflag:s0] =	ssyncadd.remote.s32 $0x1  }
0xbf: {  	_ =	sfence.sel $0xFFFF  }
0xc0: {  	[dreg:$0x0] =	wrdreg $0xFFFFFFFF;
	(pc) =	sbr.abs _section_cstart, $3  }
0xc1: {  	[dreg:$0x1] =	wrdreg $0xFFFFFFFF  }
0xc2: {  	_ =	task.clear_ibuf [dreg:s7], $0x2FFFF;
	_ =	strace $0x9FFFFFFF  }
0xc3: {  	(tm) =	ssettm $0x7FFFFFFF  }
tec
execute0_lowered:
.L_overlay_start_1:
0x0: {  	(tag) =	ssettag $0x1  }
0x1: {  	v0 =	vlaneseq.u32  }
0x2: {  	s4 =	rddreg [dreg:$0x0];
	v15 =	vmul.u32 $0xFFFFFFF4, v0  }
0x3: {  	s0 =	srdreg.scid;
	s2 =	rddreg [dreg:$0x1]  }
0x4: {  	s7 =	rddreg [dreg:$0x2];
	s1 =	stileid.u32;
	v2 =	vadd.s32 $0xBF4, v15;
	v3 =	vadd.s32 $0xB34, v15;
	v4 =	vadd.s32 $0xA74, v15  }
0x5: {  	s3 =	simm.s32 $0x0;
	s5 =	sand.u32 $0x1, s0;
	s0 =	rddreg [dreg:$0x3];
	v5 =	vadd.s32 $0x9B4, v15;
	v6 =	vadd.s32 $0x8F4, v15;
	v7 =	vadd.s32 $0x834, v15  }
0x6: {  	[smem:$0x7FF] =	sst s3;
	s6 =	smul.u32 $0x6, s5;
	v8 =	vadd.s32 $0x774, v15;
	v9 =	vadd.s32 $0x6B4, v15;
	v10 =	vadd.s32 $0x5F4, v15  }
0x7: {  	s4 =	sadd.s32 $0x800, s4;
	s28 =	sshll.u32 s1, $0xC;
	s9 =	sshll.u32 s1, $0x12;
	v11 =	vadd.s32 $0x534, v15;
	v12 =	vadd.s32 $0x474, v15;
	v13 =	vadd.s32 $0x3B4, v15  }
0x8: {  	s10 =	sshll.u32 s1, $0xF;
	s26 =	ssub.s32 $0x2, s5;
	v14 =	vadd.s32 $0x2F4, v15;
	v16 =	vadd.s32 $0x234, v15;
	v17 =	vadd.s32 $0x174, v15;
	s13 =	sadd.s32 s1, s6  }
0x9: {  	s14 =	sshll.u32 s1, $0x6;
	s5 =	smul.u32 $0x1800000, s5;
	s8 =	sshrl.u32 s26, $0x1;
	v18 =	vadd.s32 $0xB4, v15;
	v0 =	vmov s13;
	v2 =	vadd.s32 s13, v2  }
0xa: {  	p0 =	sgt.u32 s1, $0x5;
	_ =	strace $0x80000047;
	s6 =	ssub.s32 s26, s8;
	v3 =	vadd.s32 s13, v3;
	v4 =	vadd.s32 s13, v4;
	v5 =	vadd.s32 s13, v5  }
0xb: {  	s8 =	ssub.s32 $0x0, s28;
	s12 =	sor.u32 s9, s5;
	s5 =	sadd.s32 s10, s7;
	v6 =	vadd.s32 s13, v6;
	v7 =	vadd.s32 s13, v7;
	v8 =	vadd.s32 s13, v8  }
0xc: {  	s8 =	sshra.s32 s8, $0x2;
	s9 =	sadd.s32 $0x1400000, s12;
	s6 =	smax.u32 s6, $0x1;
	v9 =	vadd.s32 s13, v9;
	v10 =	vadd.s32 s13, v10;
	v11 =	vadd.s32 s13, v11  }
0xd: {  	s30 =	sadd.s32 $0x1000000, s12;
	s31 =	sadd.s32 $0xC00000, s12;
	s11 =	sadd.s32 $0x800000, s12;
	v12 =	vadd.s32 s13, v12;
	v13 =	vadd.s32 s13, v13;
	v14 =	vadd.s32 s13, v14  }
0xe: {  	s12 =	sshrl.u32 s12, $0x3;
	v15 =	vadd.s32 s13, v16;
	v16 =	vadd.s32 s13, v17;
	v17 =	vadd.s32 s13, v18;
	s13 =	sor.u32 $0x1C03, s14;
	s14 =	simm.s32 $0x3  }
0xf: {  	s7 =	sadd.s32 s8, s7;
	s29 =	sshrl.u32 s9, $0x3;
	s9 =	sshrl.u32 s30, $0x3  }
0x10: {  	s10 =	sshrl.u32 s31, $0x3;
	s11 =	sshrl.u32 s11, $0x3;
	s8 =	sadd.s32 s29, s2  }
0x11: {  	v1 =	vor.u32 $0xC00, v0;
	s9 =	sadd.s32 s9, s2;
	s10 =	sadd.s32 s10, s2;
	s11 =	sadd.s32 s11, s2  }
.LBB2_1:
0x12: {  	[tilespmem:$0x0] =	vst @!p0 v1  }
0x13: {  	[tilespmem:$0x10] =	vst @!p0 v1  }
0x14: {  	[tilespmem:$0x20] =	vst @!p0 v1  }
0x15: {  	[tilespmem:$0x30] =	vst @!p0 v1  }
0x16: {  	[tilespmem:$0x40] =	vst @!p0 v1  }
0x17: {  	[tilespmem:$0x50] =	vst @!p0 v1  }
0x18: {  	[tilespmem:$0x60] =	vst @!p0 v1  }
0x19: {  	[tilespmem:$0x70] =	vst @!p0 v1  }
0x1a: {  	[tilespmem:$0x80] =	vst @!p0 v2  }
0x1b: {  	[tilespmem:$0x90] =	vst @!p0 v3  }
0x1c: {  	[tilespmem:$0xA0] =	vst @!p0 v4  }
0x1d: {  	[tilespmem:$0xB0] =	vst @!p0 v5  }
0x1e: {  	[tilespmem:$0xC0] =	vst @!p0 v6  }
0x1f: {  	[tilespmem:$0xD0] =	vst @!p0 v7  }
0x20: {  	[tilespmem:$0xE0] =	vst @!p0 v8  }
0x21: {  	[tilespmem:$0xF0] =	vst @!p0 v9  }
0x22: {  	[tilespmem:$0x100] =	vst @!p0 v10  }
0x23: {  	[tilespmem:$0x110] =	vst @!p0 v11  }
0x24: {  	[tilespmem:$0x120] =	vst @!p0 v12  }
0x25: {  	[tilespmem:$0x130] =	vst @!p0 v13  }
0x26: {  	[tilespmem:$0x140] =	vst @!p0 v14  }
0x27: {  	[tilespmem:$0x150] =	vst @!p0 v15  }
0x28: {  	[tilespmem:$0x160] =	vst @!p0 v16  }
0x29: {  	[tilespmem:$0x170] =	vst @!p0 v17  }
0x2a: {  	[tilespmem:$0x180] =	vst @!p0 v0  }
0x2b: {  	[tilespmem:$0x190] =	vst @!p0 v0  }
0x2c: {  	[tilespmem:$0x1A0] =	vst @!p0 v0  }
0x2d: {  	[tilespmem:$0x1B0] =	vst @!p0 v0  }
0x2e: {  	[tilespmem:$0x1C0] =	vst @!p0 v0  }
0x2f: {  	[tilespmem:$0x1D0] =	vst @!p0 v0  }
0x30: {  	[tilespmem:$0x1E0] =	vst @!p0 v0  }
0x31: {  	[tilespmem:$0x1F0] =	vst @!p0 v0;
	s15 =	simm.s32 @!p0 $0x80;
	s16 =	simm.s32 @!p0 $0x0;
	s17 =	simm.s32 @!p0 $0x200  }
0x32: {  	[tilespmem:s17], [sflag:$0x1] =	stream.indirect.gather @!p0 [hbm4b:s4+s15], $0x40, s16, s15, $0xb8;
	[tilespmem:$0xB200] =	vst v63  }
0x33: {  	s16 =	simm.s32 @!p0 $0x2200  }
0x34: {  	[tilespmem:s16], [sflag:$0x1] =	stream.indirect.gather @!p0 [hbm4b:s4+s15], $0x40, s15, s15, $0xb8;
	[tilespmem:$0xB200] =	vst v63  }
0x35: {  	s18 =	simm.s32 @!p0 $0x4200;
	s16 =	simm.s32 @!p0 $0x100  }
0x36: {  	[tilespmem:s18], [sflag:$0x1] =	stream.indirect.gather @!p0 [hbm4b:s4+s15], $0x40, s16, s15, $0xb8;
	[tilespmem:$0xB200] =	vst v63  }
0x37: {  	s16 =	simm.s32 @!p0 $0x180;
	s18 =	simm.s32 @!p0 $0x6200  }
0x38: {  	[tilespmem:s18], [sflag:$0x1] =	stream.indirect.gather @!p0 [hbm4b:s4+s15], $0x40, s16, s15, $0xb8;
	[tilespmem:$0xB200] =	vst v63  }
0x39: {  	s15 =	simm.s32 @!p0 $0x1  }
0x3a: {  	_ =	swait.ge @!p0 [sflag:s15], $0x2000  }
0x3b: {  	[sflag:s15] =	ssyncset.done @!p0 $0x0  }
0x3c: {  	[sflag:s15] =	ssyncadd.s32 @!p0 $0xFFFFE000  }
0x3d: {  	_ =	swait.ge @!p0 [sflag:s15], $0x2000  }
0x3e: {  	[sflag:s15] =	ssyncset.done @!p0 $0x0  }
0x3f: {  	[sflag:s15] =	ssyncadd.s32 @!p0 $0xFFFFE000  }
0x40: {  	_ =	swait.ge @!p0 [sflag:s15], $0x2000  }
0x41: {  	[sflag:s15] =	ssyncset.done @!p0 $0x0  }
0x42: {  	[sflag:s15] =	ssyncadd.s32 @!p0 $0xFFFFE000  }
0x43: {  	_ =	swait.ge @!p0 [sflag:s15], $0x2000  }
0x44: {  	[sflag:s15] =	ssyncset.done @!p0 $0x0  }
0x45: {  	[sflag:s15] =	ssyncadd.s32 @!p0 $0xFFFFE000;
	s15 =	simm.s32 @!p0 $0x2  }
0x46: {  	[spmem:s5] =	stream.linear.scatter @!p0 [tilespmem:s17], [sflag:$0x2], $0x8000, $0x38;
	[tilespmem:$0xB200] =	vst v63  }
0x47: {  	_ =	swait.ge @!p0 [sflag:s15], $0x8000  }
0x48: {  	s19 =	smov.u32 s8;
	s20 =	simm.s32 $0x0;
	[sflag:s15] =	ssyncset.done @!p0 $0x0  }
0x49: {  	s16 =	smov.u32 s11;
	s18 =	smov.u32 s9;
	[sflag:s15] =	ssyncadd.s32 @!p0 $0xFFFF8000  }
0x4a: {  	s17 =	smov.u32 s10;
	s15 =	smov.u32 s12;
	[bflag:$0x0] =	sbarrier.arrive $0xFFFF  }
.LBB2_2:
0x4b: {  	s21 =	sshra.s32 s20, $0x2  }
0x4c: {  	s21 =	sadd.s32 s21, s7  }
0x4d: {  	s23 =	sadd.s32 s15, s2;
	s22 =	sadd.s32 $0x3FC0, s21  }
0x4e: {  	s26 =	sor.u32 $0x80000, s15;
	s28 =	sadd.s32 $0xBFC0, s21;
	s22 =	sshrl.u32 s22, $0x3  }
0x4f: {  	[hbm:s23], [sflag:s13] =	dma.local [spmem:s22], $0x800  }
0x50: {  	s29 =	sadd.s32 $0x13FC0, s21;
	s22 =	sadd.s32 s2, s26;
	s23 =	sshrl.u32 s28, $0x3  }
0x51: {  	[hbm:s22], [sflag:s13] =	dma.local [spmem:s23], $0x800  }
0x52: {  	p1 =	sne.s32 s20, $0xFFFFF100;
	s30 =	sadd.s32 $0x1BFC0, s21;
	s22 =	sshrl.u32 s29, $0x3  }
0x53: {  	[hbm:s16], [sflag:s13] =	dma.local [spmem:s22], $0x800  }
0x54: {  	s15 =	sadd.s32 $0x800, s15;
	s20 =	sadd.s32 $0xFFFFFF00, s20;
	s22 =	sshrl.u32 s30, $0x3  }
0x55: {  	[hbm:s17], [sflag:s13] =	dma.local [spmem:s22], $0x800  }
.Ltmp0:
0x56: {  	s31 =	sadd.s32 $0x23FC0, s21;
	s21 =	sadd.s32 $0x2BFC0, s21;
	(pc) =	sbr.rel @p1 .LBB2_2-.Ltmp0, $4  }
0x57: {  	s21 =	sshrl.u32 s21, $0x3;
	s16 =	sadd.s32 $0x800, s16;
	s22 =	sshrl.u32 s31, $0x3  }
0x58: {  	[hbm:s18], [sflag:s13] =	dma.local [spmem:s22], $0x800  }
0x59: {  	[hbm:s19], [sflag:s13] =	dma.local [spmem:s21], $0x800  }
0x5a: {  	s17 =	sadd.s32 $0x800, s17;
	s18 =	sadd.s32 $0x800, s18;
	s19 =	sadd.s32 $0x800, s19  }
0x5b: {  	_ =	swait.ge [sflag:s14], $0x800  }
0x5c: {  	s15 =	simm.s32 $0x5F;
	[sflag:s14] =	ssyncset.done $0x0  }
.LBB2_4:
0x5d: {  	p1 =	sne.s32 s15, $0x1;
	s15 =	sadd.s32 $0xFFFFFFFF, s15;
	[sflag:s14] =	ssyncadd.s32 $0xFFFFF800  }
.Ltmp1:
0x5e: {  	(pc) =	sbr.rel @p1 .LBB2_4-.Ltmp1, $3  }
0x5f: {  	_ =	sdelay $0x1  }
0x60: {  	_ =	swait.ge [sflag:s14], $0x800  }
0x61: {  	[sflag:s14] =	ssyncset.done $0x0  }
0x62: {  	s3 =	sadd.s32 $0x1, s3  }
0x63: {  	p1 =	sne.s32 s3, s6  }
.Ltmp2:
0x64: {  	_ = 	snop;
	(pc) =	sbr.rel @p1 .LBB2_1-.Ltmp2, $2  }
0x65: {  	_ =	sdelay $0x2  }
0x66: {  	[sflag:s14] =	ssyncadd.s32 $0xFFFFF800  }
0x67: {  	_ =	sfence.sel $0x180000  }
0x68: {  	[bflag:$0x0] =	sbarrier.arrive $0xFFFF  }
0x69: {  	p0 =	sne.s32 s1, $0x0;
	_ =	strace $0x90000047  }
0x6a: {  	s0 =	sadd.s32 @!p0 $0x100000, s0;
	[bflag:$0x2] =	sbarrier.arrive $0xFFFF  }
0x6b: {  	[sflag:s0] =	ssyncadd.tile.s32 @!p0 $0x1;
	_ =	shalt  }
.Lfunc_end2:
_tile_overlayer_lowered:
.L_overlay_start_2:
0x6c: {  	(tag) =	ssettag $0x2  }
0x6d: {  	s0 =	rddreg [dreg:$0x0];
	s2 =	stileid.u32  }
0x6e: {  	s1 =	rddreg [dreg:$0x1];
	p0 =	sne.s32 s2, $0x0  }
0x6f: {  	s3 =	rddreg [dreg:$0x2];
	[bflag:$0x3] =	sbarrier.arrive $0xFFFF;
	s2 =	simm.s32 @!p0 $0x1C04  }
0x70: {  	[timem:s3], [sflag:s2] =	dma.local @!p0 [hbm:s0], s1  }
0x71: {  	s0 =	simm.s32 @!p0 $0x4  }
0x72: {  	_ =	swait.ge @!p0 [sflag:s0], s1  }
0x73: {  	s1 =	ssub.s32 @!p0 $0x0, s1;
	[sflag:s0] =	ssyncset.done @!p0 $0x0  }
0x74: {  	[sflag:s0] =	ssyncadd.s32 @!p0 s1  }
0x75: {  	[bflag:$0x3] =	sbarrier.arrive $0xFFFF  }
0x76: {  	_ =	shalt  }

// kernel: sparse-core-data-format-call.cloned.1.call-start
scs
called_computation_lowered:
.L_overlay_start_0:
0x0: {  	s2 =	sld [smem:$0x3FD9]  }
0x1: {  	s3 =	sld [smem:$0x3FFE];
	_ =	sdelay $0x1  }
0x2: {  	s1 =	srdreg.scid  }
0x3: {  	s0 =	sand.u32 $0x1, s1  }
0x4: {  	s18 =	sshll.u32 s0, $0xA;
	s2 =	sadd.s32 s3, s2  }
0x5: {  	s2 =	sadd.s32 s2, s18  }
0x6: {  	[smem:$0x3FC7] =	sst s2  }
0x7: {  	_ = 	snop  }
0x8: {  	s2 =	sld [smem:$0x3FD0];
	(tm) =	ssettm $0x1  }
0x9: {  	s19 =	sld [smem:$0x3FFB];
	_ =	sdelay $0x3  }
0xa: {  	_ =	strace s19  }
0xb: {  	s3 =	sld [smem:$0x3FFC];
	_ =	sdelay $0x3  }
0xc: {  	_ =	strace s3  }
0xd: {  	s3 =	sld [smem:$0x3FFD];
	_ =	sdelay $0x3  }
0xe: {  	_ =	strace s3  }
0xf: {  	_ =	strace $0x8FFFFFFF  }
0x10: {  	s20 =	sld [smem:$0x3FDB];
	_ =	sdelay $0x1  }
0x11: {  	s4 =	simm.s32 $_scs_section_size  }
0x12: {  	s5 =	simm.s32 $_size__tile_overlayer_lowered;
	s6 =	simm.s32 $_tile_overlayer_lowered  }
0x13: {  	s23 =	simm.s32 $0x1BFF;
	s22 =	sshll.u32 s6, $0x1;
	s3 =	sadd.s32 s4, s20  }
0x14: {  	s7 =	simm.s32 $0x0;
	s21 =	sshll.u32 s5, $0x1;
	s5 =	sadd.s32 s22, s3  }
0x15: {  	[timem:s7], [sflag:s23] =	dma.local [hbm:s5], s21  }
0x16: {  	_ =	swait.ge [sflag:s23], s21  }
0x17: {  	s4 =	ssub.s32 $0x0, s21;
	[sflag:s23] =	ssyncset.done $0x0  }
0x18: {  	[sflag:s23] =	ssyncadd.s32 s4;
	_ =	sdelay $0x1  }
0x19: {  	s24 =	simm.s32 $0x1B8B  }
0x1a: {  	_ =	swait.ge [sflag:s24], $0x1  }
0x1b: {  	[sflag:s24] =	ssyncset.done $0x0  }
0x1c: {  	s26 =	simm.s32 $0x1B8E;
	s25 =	sld [smem:$0x3FFE];
	[sflag:s24] =	ssyncadd.s32 $0xFFFFFFFF  }
0x1d: {  	s27 =	simm.s32 $execute0_lowered;
	[smem:$0x3FD2] =	sst s26  }
0x1e: {  	s5 =	sshll.u32 s27, $0x1;
	_ =	strace $0x80000049;
	[dreg:$0x1] =	wrdreg $0xFFFFFFFF  }
0x1f: {  	s28 =	simm.s32 $_size_execute0_lowered;
	s3 =	sadd.s32 s3, s5;
	[dreg:$0x0] =	wrdreg $0x0  }
0x20: {  	s5 =	sshll.u32 s28, $0x1;
	[dreg:$0x2] =	wrdreg s3  }
0x21: {  	[dreg:$0x3] =	wrdreg s5  }
0x22: {  	[dreg:$0x4] =	wrdreg $0xC0  }
0x23: {  	_ =	task [dreg:s7], $0x5FFFF  }
0x24: {  	[dreg:$0x1] =	wrdreg $0xFFFFFFFF  }
0x25: {  	[dreg:$0x0] =	wrdreg $0x60  }
0x26: {  	[dreg:$0x2] =	wrdreg s25  }
0x27: {  	[dreg:$0x3] =	wrdreg s2  }
0x28: {  	[dreg:$0x4] =	wrdreg $0x9  }
0x29: {  	_ =	task.clear_ibuf [dreg:s7], $0x5FFFF;
	_ =	strace $0x90000049  }
0x2a: {  	s29 =	simm.s32 $0x9;
	_ =	strace $0x8000004B  }
0x2b: {  	_ =	swait.ge [sflag:s29], $0x1  }
0x2c: {  	[sflag:s29] =	ssyncadd.s32 $0xFFFFFFFF  }
0x2d: {  	_ =	strace $0x9000004B  }
0x2e: {  	_ =	sfence  }
0x2f: {  	s30 =	sld [smem:$0x0];
	_ =	sdelay $0x2  }
0x30: {  	s31 =	sshll.u32 s1, $0xD;
	s1 =	sshrl.u32 s1, $0x2  }
0x31: {  	s3 =	sand.u32 $0x4000, s31;
	s1 =	sadd.s32 s1, s30  }
0x32: {  	s0 =	sor.u32 s3, s0;
	s1 =	sshll.u32 s1, $0x11  }
0x33: {  	s0 =	sor.u32 s1, s0  }
0x34: {  	s0 =	sadd.s32 $0x8F2B, s0  }
0x35: {  	[sflag:s0] =	ssyncadd.remote.s32 $0x1  }
0x36: {  	_ =	sfence.sel $0xFFFF  }
0x37: {  	[dreg:$0x0] =	wrdreg $0xFFFFFFFF;
	(pc) =	sbr.abs _section_cstart, $3  }
0x38: {  	[dreg:$0x1] =	wrdreg $0xFFFFFFFF  }
0x39: {  	_ =	task.clear_ibuf [dreg:s7], $0x2FFFF;
	_ =	strace $0x9FFFFFFF  }
0x3a: {  	(tm) =	ssettm $0x7FFFFFFF  }
0x3b: {  	_ =	shalt  }
tec
execute0_lowered:
.L_overlay_start_1:
0x0: {  	(tag) =	ssettag $0x1  }
0x1: {  	s0 =	srdreg.scid  }
0x2: {  	s1 =	sshll.u32 s0, $0x4  }
0x3: {  	s7 =	rddreg [dreg:$0x0];
	s0 =	stileid.u32;
	s1 =	sand.u32 $0x10, s1  }
0x4: {  	s3 =	rddreg [dreg:$0x1];
	s5 =	simm.s32 $0x1;
	s1 =	sor.u32 s0, s1  }
0x5: {  	s8 =	simm.s32 $0x2;
	s14 =	simm.s32 $0x0;
	s2 =	sshll.u32 s1, $0x1  }
0x6: {  	s9 =	simm.s32 $0x800;
	s15 =	simm.s32 $0x0;
	s4 =	ssub.s32 $0x100, s2  }
0x7: {  	s16 =	simm.s32 $0x0;
	s10 =	simm.s32 $0x0;
	s31 =	sand.u32 $0x3E, s4  }
0x8: {  	s12 =	simm.s32 $0x0;
	s1 =	rddreg [dreg:$0x2];
	p0 =	sne.s32 s31, $0x0  }
.Ltmp0:
0x9: {  	s6 =	sshrl.u32 s4, $0x6;
	s5 =	simm.s32 @!p0 $0x0;
	(pc) =	sbr.rel .LBB1_1-.Ltmp0, $4  }
0xa: {  	_ =	strace $0x8000004A;
	s4 =	simm.s32 $0x1;
	s5 =	sadd.s32 s5, s6  }
0xb: {  	s13 =	simm.s32 $0x0;
	[sflag:s4] =	ssyncpa.u1 $0x0;
	s5 =	smul.u32 $0x18, s5  }
0xc: {  	s11 =	smov.u32 s2;
	[sflag:s8] =	ssyncpa.u1 $0x0;
	p0 =	por $0x0, $0x0  }
0xd: {  	s6 =	sadd.s32 $0x800, s7;
	s7 =	sadd.s32 $0x1800, s7;
	s8 =	sor.u32 $0x1, s5  }
.LBB1_7:
0xe: {  	s17 =	sadd.s32 $0x80, s10  }
0xf: {  	s14 =	sadd.s32 $0x40, s11;
	s18 =	smov.u32 s11;
	p2 =	sgt.s32 s17, $0xFF  }
0x10: {  	s18 =	smov.u32 @p2 s14  }
0x11: {  	s14 =	simm.s32 $0x1;
	p3 =	sgt.s32 s18, $0xFF  }
0x12: {  	s14 =	simm.s32 @!p3 $0x0  }
0x13: {  	s20 =	sadd.s32 s14, s12  }
0x14: {  	s17 =	simm.s32 @p2 $0x0;
	p2 =	sgt.s32 s20, $0xB  }
0x15: {  	p1 =	slt.u32 s13, $0x2;
	s20 =	simm.s32 @p2 $0x0;
	p2 =	sne.s32 s13, s8  }
.Ltmp1:
0x16: {  	s19 =	simm.s32 @!p1 $0x2;
	(pc) =	sbr.rel @!p2 .LBB1_8-.Ltmp1, $4  }
0x17: {  	s15 =	smov.u32 s11;
	s16 =	smov.u32 s12;
	_ =	swait.ge @!p1 [sflag:s19], $0x4000  }
0x18: {  	p0 =	por !p0, !p0;
	[sflag:s19] =	ssyncset.done @!p1 $0x0;
	s18 =	smov.u32 @p3 s2  }
0x19: {  	[sflag:s19] =	ssyncadd.s32 @!p1 $0xFFFFC000;
	s14 =	smov.u32 s10;
	s10 =	smov.u32 s17  }
0x1a: {  	s11 =	smov.u32 s18;
	s13 =	sadd.s32 $0x1, s13;
	s12 =	smov.u32 s20  }
.LBB1_1:
0x1b: {  	p1 =	sge.u32 s13, s5  }
0x1c: {  	s17 =	sxor.u32 @!p1 $0xFFFFFFFF, s13;
	s18 =	sshll.u32 @!p1 s12, $0x14  }
0x1d: {  	s19 =	sshll.u32 @!p1 s11, $0xC;
	s21 =	sshll.u32 @!p1 s10, $0x4;
	s22 =	simm.s32 @!p1 $0x40  }
0x1e: {  	s23 =	simm.s32 @!p1 $0x80;
	s17 =	sshll.u32 @!p1 s17, $0xE;
	s20 =	sadd.s32 @!p1 s18, s19  }
0x1f: {  	s21 =	sand.u32 @!p1 $0xFF0, s21;
	s18 =	sadd.s32 @!p1 s18, s7;
	s20 =	sadd.s32 @!p1 s6, s20  }
0x20: {  	s17 =	sand.u32 @!p1 $0x4000, s17;
	s18 =	sadd.s32 @!p1 s19, s18;
	s20 =	sadd.s32 @!p1 s21, s20  }
0x21: {  	[tilespmem:s17], [sflag:$0x1] =	stream.strided.gather @!p1 [hbm4b:s20+s22], $0x2000, s23, s22, $0x38;
	[tilespmem:$0x10100] =	vst v63  }
0x22: {  	s31 =	sadd.s32 $0xFFFFFFFF, s13;
	s18 =	sadd.s32 @!p1 s21, s18;
	s17 =	sor.u32 @!p1 $0x2000, s17  }
0x23: {  	[tilespmem:s17], [sflag:$0x1] =	stream.strided.gather @!p1 [hbm4b:s18+s22], $0x2000, s23, s22, $0x38;
	[tilespmem:$0x10100] =	vst v63  }
0x24: {  	p1 =	sge.u32 s31, s5  }
.Ltmp2:
0x25: {  	_ = 	snop;
	(pc) =	sbr.rel @p1 .LBB1_7-.Ltmp2, $1  }
0x26: {  	_ =	sdelay $0x3  }
0x27: {  	s17 =	simm.s32 $0x1;
	s19 =	sand.u32 $0x1, s13  }
0x28: {  	_ =	swait.ge [sflag:s4], $0x4000;
	s17 =	simm.s32 @!p0 $0x0;
	s19 =	smul.u32 $0x10200, s19  }
0x29: {  	p2 =	por $0x1, $0x1;
	[sflag:s4] =	ssyncset.done $0x0;
	s18 =	smul.u32 $0x10200, s17  }
0x2a: {  	s20 =	sshll.u32 s17, $0x10;
	[sflag:s4] =	ssyncadd.s32 $0xFFFFC000;
	s30 =	sshrl.u32 s19, $0x2  }
0x2b: {  	s31 =	sshrl.u32 s20, $0x2;
	s20 =	simm.s32 $0x0;
	s18 =	sshrl.u32 s18, $0x2  }
0x2c: {  	s17 =	sor.u32 $0x8000, s30;
	s19 =	sadd.s32 $0x20, s31;
	s18 =	sor.u32 $0x8000, s18  }
.LBB1_3:
0x2d: {  	s21 =	sshll.u32 s20, $0xD  }
0x2e: {  	s21 =	sand.u32 $0x3FFFE000, s21  }
0x2f: {  	s23 =	sadd.s32 s21, s19  }
0x30: {  	s31 =	smul.u32 $0x8100, s20;
	v3 =	vld [tilespmem:s23+$0x10]  }
0x31: {  	v1 =	vld [tilespmem:s23+$0xFFFFFFF0]  }
0x32: {  	s20 =	sshra.s32 s31, $0x2;
	v0 =	vld [tilespmem:s23+$0x0]  }
0x33: {  	s20 =	sadd.s32 s20, s18;
	v2 =	vld [tilespmem:s23+$0xFFFFFFE0]  }
0x34: {  	s21 =	sadd.s32 $0x0, s20  }
0x35: {  	p1 =	por p2, p2;
	s22 =	simm.s32 $0x4;
	s23 =	sadd.s32 $0x40, s23;
	[tilespmem:s21+$0x1830 ss:$0x81] =	vst.msk $0xffff, v3  }
.LBB1_4:
0x36: {  	v3 =	vld [tilespmem:s23+$0x10];
	p2 =	sne.s32 s22, $0x1FC;
	[tilespmem:s21+$0x810 ss:$0x81] =	vst.msk $0xffff, v1;
	s24 =	smov.u32 s22;
	s22 =	sadd.s32 $0x4, s22  }
.Ltmp3:
0x37: {  	v1 =	vld [tilespmem:s23+$0xFFFFFFF0];
	[tilespmem:s21+$0x1020 ss:$0x81] =	vst.msk $0xffff, v0;
	(pc) =	sbr.rel @p2 .LBB1_4-.Ltmp3, $4  }
0x38: {  	v0 =	vld [tilespmem:s23+$0x0];
	[tilespmem:s21+$0x0 ss:$0x81] =	vst.msk $0xffff, v2  }
0x39: {  	s21 =	sshra.s32 s24, $0x2;
	v2 =	vld [tilespmem:s23+$0xFFFFFFE0]  }
0x3a: {  	s21 =	sadd.s32 s21, s20  }
0x3b: {  	s23 =	sadd.s32 $0x40, s23;
	[tilespmem:s21+$0x1830 ss:$0x81] =	vst.msk $0xffff, v3  }
.Ltmp4:
0x3c: {  	(pc) =	sbr.rel @p1 .LBB1_3-.Ltmp4, $4  }
0x3d: {  	_ = 	snop  }
0x3e: {  	[tilespmem:s21+$0x810 ss:$0x81] =	vst.msk $0xffff, v1  }
0x3f: {  	[tilespmem:s21+$0x1020 ss:$0x81] =	vst.msk $0xffff, v0  }
0x40: {  	s20 =	simm.s32 $0x1;
	p2 =	por $0x0, $0x0;
	[tilespmem:s21+$0x0 ss:$0x81] =	vst.msk $0xffff, v2  }
0x41: {  	s16 =	sshll.u32 s16, $0x13;
	s18 =	sand.u32 $0x780, s14  }
.Ltmp5:
0x42: {  	s15 =	sshll.u32 s15, $0xB;
	s16 =	sadd.s32 s3, s16;
	(pc) =	sbr.rel .LBB1_7-.Ltmp5, $4  }
0x43: {  	s19 =	sshrl.u32 s14, $0x3;
	s30 =	sand.u32 $0x7, s14;
	s15 =	sadd.s32 s15, s16  }
0x44: {  	s31 =	sand.u32 $0xF, s19;
	s14 =	sshll.u32 s30, $0x12;
	s15 =	sadd.s32 s18, s15  }
0x45: {  	s14 =	sor.u32 $0x400, s14;
	s15 =	sadd.s32 s31, s15  }
0x46: {  	[hbm4b:s15+s14] =	stream.strided.scatter [tilespmem:s17], [sflag:$0x2], $0x4000, s9, s14, $0x20;
	[tilespmem:$0x10100] =	vst v63  }
.LBB1_8:
0x47: {  	_ =	sfence.sel $0x180000  }
0x48: {  	s2 =	simm.s32 $0x1;
	[bflag:$0x0] =	sbarrier.arrive $0xFFFF  }
0x49: {  	s31 =	simm.s32 $0x2;
	[sflag:s2] =	ssyncpa.u1 $0x1  }
0x4a: {  	[sflag:s31] =	ssyncpa.u1 $0x1  }
0x4b: {  	p0 =	sne.s32 s0, $0x0;
	_ =	strace $0x9000004A  }
0x4c: {  	s0 =	sadd.s32 @!p0 $0x100000, s1;
	[bflag:$0x2] =	sbarrier.arrive $0xFFFF  }
0x4d: {  	[sflag:s0] =	ssyncadd.tile.s32 @!p0 $0x1;
	_ =	shalt  }
.Lfunc_end1:
_tile_overlayer_lowered:
.L_overlay_start_2:
0x4e: {  	(tag) =	ssettag $0x2  }
0x4f: {  	s0 =	rddreg [dreg:$0x0];
	s2 =	stileid.u32  }
0x50: {  	s1 =	rddreg [dreg:$0x1];
	p0 =	sne.s32 s2, $0x0  }
0x51: {  	s3 =	rddreg [dreg:$0x2];
	[bflag:$0x3] =	sbarrier.arrive $0xFFFF;
	s2 =	simm.s32 @!p0 $0x1C01  }
0x52: {  	[timem:s3], [sflag:s2] =	dma.local @!p0 [hbm:s0], s1  }
0x53: {  	s0 =	simm.s32 @!p0 $0x1  }
0x54: {  	_ =	swait.ge @!p0 [sflag:s0], s1  }
0x55: {  	s1 =	ssub.s32 @!p0 $0x0, s1;
	[sflag:s0] =	ssyncset.done @!p0 $0x0  }
0x56: {  	[sflag:s0] =	ssyncadd.s32 @!p0 s1  }
0x57: {  	[bflag:$0x3] =	sbarrier.arrive $0xFFFF  }
0x58: {  	_ =	shalt  }

</sc_bundles>
